<compile_context>
chip_gen: v7x
topology: tpu7x:2x2x1
jax: 0.10.2.dev20260603
libtpu: 0.0.44.dev20260713+nightly
codegen_flags: <defaults>
</compile_context>

<pallas_src>
import functools

import jax
import jax.numpy as jnp
from jax import lax
from jax.experimental import pallas as pl
from jax.experimental.pallas import tpu as pltpu
from jax.experimental.pallas import tpu_sc as plsc

N = 10000
E = 160000
H = 64

NC = 2
NS = 16
NW = NC * NS
CH = 128
EPW = 5120
NCHUNK = EPW // CH
EPAD = NW * EPW
NACC = 10112
ROWS = NACC // NS

_mesh = plsc.VectorSubcoreMesh(core_axis_name="c", subcore_axis_name="s")



def _make_deg_kernel():
    @functools.partial(
        pl.kernel,
        mesh=_mesh,
        compiler_params=pltpu.CompilerParams(use_tc_tiling_on_sc=False),
        out_type=jax.ShapeDtypeStruct((NC, NACC, 16), jnp.float32),
        scratch_types=[
            pltpu.VMEM((NCHUNK, CH), jnp.int32),
            pltpu.VMEM((CH, 16), jnp.float32),
            pltpu.VMEM((ROWS, 16), jnp.float32),
            pltpu.VMEM_SHARED((NACC, 16), jnp.float32),
        ],
    )
    def deg_kernel(dst2d, ones_hbm, zeros_hbm, out, idx_d, ones_v, stripe_v, acc_sh):
        cid = lax.axis_index("c")
        sid = lax.axis_index("s")
        wid = cid * NS + sid
        pltpu.sync_copy(zeros_hbm.at[pl.ds(sid * ROWS, ROWS)], stripe_v)
        pltpu.sync_copy(stripe_v, acc_sh.at[pl.ds(sid * ROWS, ROWS)])
        pltpu.sync_copy(ones_hbm, ones_v)
        pltpu.sync_copy(dst2d.at[pl.ds(wid * NCHUNK, NCHUNK)], idx_d)
        plsc.subcore_barrier()

        def body(k, carry):
            pltpu.sync_copy(ones_v, acc_sh.at[idx_d.at[k]], add=True)
            return carry

        lax.fori_loop(0, NCHUNK, body, 0)
        plsc.subcore_barrier()
        pltpu.sync_copy(acc_sh.at[pl.ds(sid * ROWS, ROWS)], stripe_v)
        pltpu.sync_copy(stripe_v, out.at[cid, pl.ds(sid * ROWS, ROWS)])

    return deg_kernel


def _make_conv_kernel(F):
    @functools.partial(
        pl.kernel,
        mesh=_mesh,
        compiler_params=pltpu.CompilerParams(use_tc_tiling_on_sc=False),
        out_type=jax.ShapeDtypeStruct((NC, NACC, F), jnp.float32),
        scratch_types=[
            pltpu.VMEM((NCHUNK, CH), jnp.int32),
            pltpu.VMEM((NCHUNK, CH), jnp.int32),
            pltpu.VMEM((CH, F), jnp.float32),
            pltpu.VMEM((CH, F), jnp.float32),
            pltpu.VMEM((ROWS, F), jnp.float32),
            pltpu.VMEM_SHARED((NACC, F), jnp.float32),
            pltpu.SemaphoreType.DMA,
            pltpu.SemaphoreType.DMA,
        ],
    )
    def conv_kernel(y_hbm, src2d, dst2d, zeros_hbm, out,
                    idx_s, idx_d, rows_a, rows_b, stripe_v, acc_sh,
                    sem_a, sem_b):
        cid = lax.axis_index("c")
        sid = lax.axis_index("s")
        wid = cid * NS + sid
        pltpu.sync_copy(zeros_hbm.at[pl.ds(sid * ROWS, ROWS)], stripe_v)
        pltpu.sync_copy(stripe_v, acc_sh.at[pl.ds(sid * ROWS, ROWS)])
        pltpu.sync_copy(src2d.at[pl.ds(wid * NCHUNK, NCHUNK)], idx_s)
        pltpu.sync_copy(dst2d.at[pl.ds(wid * NCHUNK, NCHUNK)], idx_d)
        plsc.subcore_barrier()

        ga = pltpu.async_copy(y_hbm.at[idx_s.at[0]], rows_a, sem_a)

        def body(i, carry):
            k0 = 2 * i
            gb = pltpu.async_copy(y_hbm.at[idx_s.at[k0 + 1]], rows_b, sem_b)
            pltpu.make_async_copy(y_hbm.at[idx_s.at[k0]], rows_a, sem_a).wait()
            pltpu.sync_copy(rows_a, acc_sh.at[idx_d.at[k0]], add=True)
            knext = jnp.minimum(k0 + 2, NCHUNK - 1)
            pltpu.async_copy(y_hbm.at[idx_s.at[knext]], rows_a, sem_a)
            gb.wait()
            pltpu.sync_copy(rows_b, acc_sh.at[idx_d.at[k0 + 1]], add=True)
            return carry

        lax.fori_loop(0, NCHUNK // 2, body, 0)
        pltpu.make_async_copy(y_hbm.at[idx_s.at[NCHUNK - 1]], rows_a,
                              sem_a).wait()
        plsc.subcore_barrier()
        pltpu.sync_copy(acc_sh.at[pl.ds(sid * ROWS, ROWS)], stripe_v)
        pltpu.sync_copy(stripe_v, out.at[cid, pl.ds(sid * ROWS, ROWS)])

    return conv_kernel


_deg_kernel = _make_deg_kernel()
_conv16 = _make_conv_kernel(16)
_conv32 = _make_conv_kernel(32)



def _tc1_body(x_ref, w1_ref, degp_ref, y1_ref, dinv_ref):
    deg = degp_ref[:, 0:1] + degp_ref[:, 1:2] + 1.0
    dinv = lax.rsqrt(deg)
    xw = jnp.dot(x_ref[...], w1_ref[...], preferred_element_type=jnp.float32)
    y1_ref[...] = dinv * xw
    dinv_ref[...] = dinv


def _tc2_body(acca_ref, accb_ref, y_ref, dinv_ref, b_ref, w2_ref, y2_ref):
    dinv = dinv_ref[...]
    h = acca_ref[...] + accb_ref[...] + y_ref[...]
    h = jax.nn.relu(dinv * h + b_ref[...])
    y2_ref[...] = dinv * jnp.dot(h, w2_ref[...], preferred_element_type=jnp.float32)


def _tc3_body(acca_ref, accb_ref, y_ref, dinv_ref, b_ref, h_ref):
    h = acca_ref[...] + accb_ref[...] + y_ref[...]
    h_ref[...] = jax.nn.relu(dinv_ref[...] * h + b_ref[...])


def _gi_body(haug_ref, wbig_ref, bcat_ref, gi_ref):
    gi_ref[...] = jnp.dot(haug_ref[...], wbig_ref[...],
                          preferred_element_type=jnp.float32) + bcat_ref[...]


def _scan_body(gi_ref, wc_ref, bhn_ref, hall_ref):
    bhn = bhn_ref[...]

    def step(t, carry):
        h, hbt = carry
        gi_t = gi_ref[pl.ds(t, 1), :]
        s0 = jnp.sum(hbt * wc_ref[:, 0:128], axis=0, keepdims=True)
        s1 = jnp.sum(hbt * wc_ref[:, 128:256], axis=0, keepdims=True)
        s2h = jnp.sum(hbt * wc_ref[:, 256:384], axis=0, keepdims=True) + bhn
        tr = jnp.tanh(gi_t[:, 0:128] + s0)
        tz = jnp.tanh(gi_t[:, 128:256] + s1)
        c = jnp.tanh(gi_t[:, 256:384] + s2h + tr * s2h)
        hn = 0.5 * (c + h) + tz * (0.5 * (h - c))
        hall_ref[pl.ds(t, 1), :] = hn
        hbt_n = jnp.broadcast_to(hn, (128, 128)).T
        return (hn, hbt_n)

    lax.fori_loop(0, N, step, (jnp.zeros((1, 2 * H), jnp.float32),
                               jnp.zeros((128, 128), jnp.float32)),
                  unroll=4)


def _out_body(h_ref, w_ref, b_ref, o_ref):
    o_ref[...] = jnp.dot(h_ref[...], w_ref[...],
                         preferred_element_type=jnp.float32) + b_ref[...]


def _call(body, out_shapes):
    return pl.pallas_call(body, out_shape=out_shapes)



def _gates_cat(Wf, Wr):
    insz = Wf.shape[1]
    Wbig = jnp.zeros((2 * insz, 6 * H), jnp.float32)
    WfT, WrT = Wf.T, Wr.T
    for g in range(3):
        Wbig = Wbig.at[:insz, (2 * g) * H:(2 * g + 1) * H].set(
            WfT[:, g * H:(g + 1) * H])
        Wbig = Wbig.at[insz:, (2 * g + 1) * H:(2 * g + 2) * H].set(
            WrT[:, g * H:(g + 1) * H])
    return Wbig


def _bias_cat(bf, br):
    return jnp.concatenate([bf[0:H], br[0:H], bf[H:2 * H], br[H:2 * H],
                            bf[2 * H:], br[2 * H:]]).reshape(1, 6 * H)


def _scan_prep(wih_f, wih_r, bih_f, bih_r, whh_f, whh_r, bhh_f, bhh_r):
    half = jnp.concatenate([jnp.full((256,), 0.5, jnp.float32),
                            jnp.ones((128,), jnp.float32)]).reshape(1, 384)
    wbig = _gates_cat(wih_f, wih_r) * half
    bi = _bias_cat(bih_f, bih_r)
    bh = _bias_cat(bhh_f, bhh_r)
    gi_bias = jnp.concatenate([0.5 * (bi[:, 0:256] + bh[:, 0:256]),
                               bi[:, 256:384]], axis=1)
    wblk = _gates_cat(whh_f, whh_r)
    wc = 0.5 * wblk
    bhn_half = 0.5 * bh[:, 256:384]
    return wbig, gi_bias, wc, bhn_half



def kernel(x, edge_index, W1, b1, W2, b2,
           gru_wih_l0, gru_whh_l0, gru_bih_l0, gru_bhh_l0,
           gru_wih_l0_r, gru_whh_l0_r, gru_bih_l0_r, gru_bhh_l0_r,
           gru_wih_l1, gru_whh_l1, gru_bih_l1, gru_bhh_l1,
           gru_wih_l1_r, gru_whh_l1_r, gru_bih_l1_r, gru_bhh_l1_r,
           Wlin, blin):
    f32 = jnp.float32
    src = edge_index[0]
    dst = edge_index[1]
    pad = EPAD - E
    src2d = jnp.concatenate([src, jnp.zeros((pad,), jnp.int32)]).reshape(-1, CH)
    dst2d = jnp.concatenate([dst, jnp.full((pad,), N, jnp.int32)]).reshape(-1, CH)

    ones16 = jnp.ones((CH, 16), f32)
    zeros16 = jnp.zeros((NACC, 16), f32)
    zeros32 = jnp.zeros((NACC, 32), f32)

    degp = _deg_kernel(dst2d, ones16, zeros16)
    degp2 = jnp.transpose(degp[:, :N, 0])

    y1, dinv = _call(_tc1_body, [jax.ShapeDtypeStruct((N, 16), f32),
                                 jax.ShapeDtypeStruct((N, 1), f32)])(
        x, W1, degp2)
    acc1 = _conv16(y1, src2d, dst2d, zeros16)
    y2 = _call(_tc2_body, jax.ShapeDtypeStruct((N, 32), f32))(
        acc1[0, :N], acc1[1, :N], y1, dinv, b1.reshape(1, 16), W2)

    acc2 = _conv32(y2, src2d, dst2d, zeros32)
    h = _call(_tc3_body, jax.ShapeDtypeStruct((N, 32), f32))(
        acc2[0, :N], acc2[1, :N], y2, dinv, b2.reshape(1, 32))

    haug = jnp.concatenate([h, h[::-1]], axis=-1)
    wbig0, gib0, wc0, bhn0 = _scan_prep(
        gru_wih_l0, gru_wih_l0_r, gru_bih_l0, gru_bih_l0_r,
        gru_whh_l0, gru_whh_l0_r, gru_bhh_l0, gru_bhh_l0_r)
    gi0 = _call(_gi_body, jax.ShapeDtypeStruct((N, 6 * H), f32))(
        haug, wbig0, gib0)
    hall0 = _call(_scan_body, jax.ShapeDtypeStruct((N, 2 * H), f32))(
        gi0, wc0, bhn0)

    h1 = jnp.concatenate([hall0[:, :H], hall0[::-1, H:]], axis=-1)
    h1aug = jnp.concatenate([h1, h1[::-1]], axis=-1)
    wbig1, gib1, wc1, bhn1 = _scan_prep(
        gru_wih_l1, gru_wih_l1_r, gru_bih_l1, gru_bih_l1_r,
        gru_whh_l1, gru_whh_l1_r, gru_bhh_l1, gru_bhh_l1_r)
    gi1 = _call(_gi_body, jax.ShapeDtypeStruct((N, 6 * H), f32))(
        h1aug, wbig1, gib1)
    hall1 = _call(_scan_body, jax.ShapeDtypeStruct((N, 2 * H), f32))(
        gi1, wc1, bhn1)

    h2cat = jnp.concatenate([hall1[:, :H], hall1[::-1, H:]], axis=-1)
    return _call(_out_body, jax.ShapeDtypeStruct((N, Wlin.shape[1]), f32))(
        h2cat, Wlin, blin.reshape(1, -1))

# --- scband reference (transcript-rebuilt; emitter-appended) ---
"""Pipeline reference for scband-net-11914239279180 (READ-ONLY COPY).

The authoritative reference and input builder live on the scoring server;
editing this copy changes nothing except your own understanding.
"""

import jax, jax.numpy as jnp
import numpy as np

N = 10000
E = 160000
D = 256
H = 64
NUM_CLASSES = 40


def _u(key, shape, scale):
    return jax.random.uniform(key, shape, jnp.float32, -scale, scale)


def setup_inputs(seed: int = 0):
    key = jax.random.key(seed)
    ks = jax.random.split(key, 40)
    inp = {}
    inp["x"] = jax.random.normal(ks[0], (N, D), dtype=jnp.float32)
    inp["edge_index"] = jax.random.randint(ks[1], (2, E), 0, N, dtype=jnp.int32)
    inp["W1"] = _u(ks[2], (D, 16), 1.0 / np.sqrt(D))
    inp["b1"] = jnp.zeros((16,), jnp.float32)
    inp["W2"] = _u(ks[3], (16, 32), 1.0 / np.sqrt(16))
    inp["b2"] = jnp.zeros((32,), jnp.float32)
    i = 4
    s = 1.0 / np.sqrt(H)
    for l, insz in [(0, 32), (1, 2 * H)]:
        for suf in ["", "_r"]:
            inp[f"gru_wih_l{l}{suf}"] = _u(ks[i], (3 * H, insz), s); i += 1
            inp[f"gru_whh_l{l}{suf}"] = _u(ks[i], (3 * H, H), s); i += 1
            inp[f"gru_bih_l{l}{suf}"] = _u(ks[i], (3 * H,), s); i += 1
            inp[f"gru_bhh_l{l}{suf}"] = _u(ks[i], (3 * H,), s); i += 1
    inp["Wlin"] = _u(ks[i], (2 * H, NUM_CLASSES), 1.0 / np.sqrt(2 * H)); i += 1
    inp["blin"] = _u(ks[i], (NUM_CLASSES,), 1.0 / np.sqrt(2 * H))
    return inp


def _gcn_conv(x, src, dst, W, b, n):
    xw = x @ W
    deg = jnp.zeros((n,), x.dtype).at[dst].add(1.0)
    dinv = jnp.where(deg > 0, 1.0 / jnp.sqrt(deg), 0.0)
    norm = dinv[src] * dinv[dst]
    msg = xw[src] * norm[:, None]
    out = jnp.zeros((n, xw.shape[1]), x.dtype).at[dst].add(msg)
    return out + b


def _gru_dir(xs, Wih, Whh, bih, bhh, reverse):
    def step(h, xt):
        gi = Wih @ xt + bih
        gh = Whh @ h + bhh
        i_r, i_z, i_n = jnp.split(gi, 3)
        h_r, h_z, h_n = jnp.split(gh, 3)
        r = jax.nn.sigmoid(i_r + h_r)
        z = jax.nn.sigmoid(i_z + h_z)
        cand = jnp.tanh(i_n + r * h_n)
        h_new = (1.0 - z) * cand + z * h
        return h_new, h_new
    h0 = jnp.zeros((Whh.shape[1],), xs.dtype)
    _, ys = jax.lax.scan(step, h0, xs, reverse=reverse)
    return ys


def reference(x, edge_index, W1, b1, W2, b2,
              gru_wih_l0, gru_whh_l0, gru_bih_l0, gru_bhh_l0,
              gru_wih_l0_r, gru_whh_l0_r, gru_bih_l0_r, gru_bhh_l0_r,
              gru_wih_l1, gru_whh_l1, gru_bih_l1, gru_bhh_l1,
              gru_wih_l1_r, gru_whh_l1_r, gru_bih_l1_r, gru_bhh_l1_r,
              Wlin, blin):
    n = x.shape[0]
    loop = jnp.arange(n, dtype=edge_index.dtype)
    src = jnp.concatenate([edge_index[0], loop])
    dst = jnp.concatenate([edge_index[1], loop])
    h = jax.nn.relu(_gcn_conv(x, src, dst, W1, b1, n))
    # dropout is identity in eval mode
    h = jax.nn.relu(_gcn_conv(h, src, dst, W2, b2, n))
    # unbatched 2-layer bidirectional GRU over node axis (PyTorch treats 2D input as unbatched seq)
    f0 = _gru_dir(h, gru_wih_l0, gru_whh_l0, gru_bih_l0, gru_bhh_l0, False)
    r0 = _gru_dir(h, gru_wih_l0_r, gru_whh_l0_r, gru_bih_l0_r, gru_bhh_l0_r, True)
    h1 = jnp.concatenate([f0, r0], axis=-1)
    f1 = _gru_dir(h1, gru_wih_l1, gru_whh_l1, gru_bih_l1, gru_bhh_l1, False)
    r1 = _gru_dir(h1, gru_wih_l1_r, gru_whh_l1_r, gru_bih_l1_r, gru_bhh_l1_r, True)
    h2 = jnp.concatenate([f1, r1], axis=-1)
    # squeeze(1) is a no-op on [n, 128]
    return h2 @ Wlin + blin

if __name__ == "__main__":
    import jax
    _d = setup_inputs()
    print(jax.jit(kernel)(*tuple(_d.values())))

</pallas_src>

<mosaic_0001>
#map = affine_map<(d0, d1) -> (0, 0)>
#map1 = affine_map<(d0, d1) -> (0, 0, 0)>
module attributes {stable_mosaic.version = 14 : i64} {
  func.func @deg_kernel(%arg0: i32, %arg1: i32, %arg2: memref<1280x128xi32, #tpu.memory_space<hbm>>, %arg3: memref<128x16xf32, #tpu.memory_space<hbm>>, %arg4: memref<10112x16xf32, #tpu.memory_space<hbm>>, %arg5: memref<2x10112x16xf32, #tpu.memory_space<hbm>>, %arg6: memref<40x128xi32, #tpu.memory_space<vmem>>, %arg7: memref<128x16xf32, #tpu.memory_space<vmem>>, %arg8: memref<632x16xf32, #tpu.memory_space<vmem>>, %arg9: memref<10112x16xf32, #tpu.memory_space<vmem_shared>>) attributes {dimension_semantics = [#tpu.dimension_semantics<core_parallel>, #tpu.dimension_semantics<subcore_parallel>], iteration_bounds = array<i64: 2, 16>, scalar_prefetch = 0 : i64, scratch_operands = 4 : i64, tpu.core_type = #tpu.core_type<sc_vector_subcore>, window_params = [{transform_indices = #map}, {transform_indices = #map}, {transform_indices = #map}, {transform_indices = #map1}]} {
    %mul3A = arith.constant 16 : i32
    %mul3A_0 = arith.muli %arg0, %mul3A : i32
    %add3A = arith.addi %mul3A_0, %arg1 : i32
    %mul3A_1 = arith.constant 632 : i32
    %mul3A_2 = arith.muli %arg1, %mul3A_1 : i32
    "tpu.region"() ({
      %run_scoped3A = tpu.sem_alloc : memref<!tpu.dma_semaphore, #tpu.memory_space<semaphore_mem>>
      %dma_start3A = arith.constant 0 : i32
      %dma_start3A_17 = tpu.memref_slice %arg4[%mul3A_2, %dma_start3A] : memref<10112x16xf32, #tpu.memory_space<hbm>> -> memref<632x16xf32, #tpu.memory_space<hbm>>
      %dma_start3A_18 = arith.constant 0 : i32
      %dma_start3A_19 = tpu.memref_slice %arg4[%mul3A_2, %dma_start3A_18] : memref<10112x16xf32, #tpu.memory_space<hbm>> -> memref<632x16xf32, #tpu.memory_space<hbm>>
      tpu.enqueue_dma source(%dma_start3A_19 : memref<632x16xf32, #tpu.memory_space<hbm>>) target(%arg8 : memref<632x16xf32, #tpu.memory_space<vmem>>) target_semaphore(%run_scoped3A : memref<!tpu.dma_semaphore, #tpu.memory_space<semaphore_mem>>)
      %dma_wait3A = arith.constant 0 : i32
      %dma_wait3A_20 = tpu.memref_slice %arg4[%mul3A_2, %dma_wait3A] : memref<10112x16xf32, #tpu.memory_space<hbm>> -> memref<632x16xf32, #tpu.memory_space<hbm>>
      %dma_wait3A_21 = arith.constant 0 : i32
      %dma_wait3A_22 = tpu.memref_slice %arg4[%mul3A_2, %dma_wait3A_21] : memref<10112x16xf32, #tpu.memory_space<hbm>> -> memref<632x16xf32, #tpu.memory_space<hbm>>
      tpu.wait_dma2 semaphore(%run_scoped3A : memref<!tpu.dma_semaphore, #tpu.memory_space<semaphore_mem>>) src(%dma_wait3A_22 : memref<632x16xf32, #tpu.memory_space<hbm>>) dst(%arg8 : memref<632x16xf32, #tpu.memory_space<vmem>>)
      tpu.yield
    }) : () -> ()
    %mul3A_3 = arith.constant 632 : i32
    %mul3A_4 = arith.muli %arg1, %mul3A_3 : i32
    "tpu.region"() ({
      %run_scoped3A = tpu.sem_alloc : memref<!tpu.dma_semaphore, #tpu.memory_space<semaphore_mem>>
      %dma_start3A = arith.constant 0 : i32
      %dma_start3A_17 = tpu.memref_slice %arg9[%mul3A_4, %dma_start3A] : memref<10112x16xf32, #tpu.memory_space<vmem_shared>> -> memref<632x16xf32, #tpu.memory_space<vmem_shared>>
      %dma_start3A_18 = arith.constant 0 : i32
      %dma_start3A_19 = tpu.memref_slice %arg9[%mul3A_4, %dma_start3A_18] : memref<10112x16xf32, #tpu.memory_space<vmem_shared>> -> memref<632x16xf32, #tpu.memory_space<vmem_shared>>
      tpu.enqueue_dma source(%arg8 : memref<632x16xf32, #tpu.memory_space<vmem>>) target(%dma_start3A_19 : memref<632x16xf32, #tpu.memory_space<vmem_shared>>) target_semaphore(%run_scoped3A : memref<!tpu.dma_semaphore, #tpu.memory_space<semaphore_mem>>)
      %dma_wait3A = arith.constant 0 : i32
      %dma_wait3A_20 = tpu.memref_slice %arg9[%mul3A_4, %dma_wait3A] : memref<10112x16xf32, #tpu.memory_space<vmem_shared>> -> memref<632x16xf32, #tpu.memory_space<vmem_shared>>
      %dma_wait3A_21 = arith.constant 0 : i32
      %dma_wait3A_22 = tpu.memref_slice %arg9[%mul3A_4, %dma_wait3A_21] : memref<10112x16xf32, #tpu.memory_space<vmem_shared>> -> memref<632x16xf32, #tpu.memory_space<vmem_shared>>
      tpu.wait_dma2 semaphore(%run_scoped3A : memref<!tpu.dma_semaphore, #tpu.memory_space<semaphore_mem>>) src(%arg8 : memref<632x16xf32, #tpu.memory_space<vmem>>) dst(%dma_wait3A_22 : memref<632x16xf32, #tpu.memory_space<vmem_shared>>)
      tpu.yield
    }) : () -> ()
    "tpu.region"() ({
      %run_scoped3A = tpu.sem_alloc : memref<!tpu.dma_semaphore, #tpu.memory_space<semaphore_mem>>
      tpu.enqueue_dma source(%arg3 : memref<128x16xf32, #tpu.memory_space<hbm>>) target(%arg7 : memref<128x16xf32, #tpu.memory_space<vmem>>) target_semaphore(%run_scoped3A : memref<!tpu.dma_semaphore, #tpu.memory_space<semaphore_mem>>)
      tpu.wait_dma2 semaphore(%run_scoped3A : memref<!tpu.dma_semaphore, #tpu.memory_space<semaphore_mem>>) src(%arg3 : memref<128x16xf32, #tpu.memory_space<hbm>>) dst(%arg7 : memref<128x16xf32, #tpu.memory_space<vmem>>)
      tpu.yield
    }) : () -> ()
    %mul3A_5 = arith.constant 40 : i32
    %mul3A_6 = arith.muli %add3A, %mul3A_5 : i32
    "tpu.region"() ({
      %run_scoped3A = tpu.sem_alloc : memref<!tpu.dma_semaphore, #tpu.memory_space<semaphore_mem>>
      %dma_start3A = arith.constant 0 : i32
      %dma_start3A_17 = tpu.memref_slice %arg2[%mul3A_6, %dma_start3A] : memref<1280x128xi32, #tpu.memory_space<hbm>> -> memref<40x128xi32, #tpu.memory_space<hbm>>
      %dma_start3A_18 = arith.constant 0 : i32
      %dma_start3A_19 = tpu.memref_slice %arg2[%mul3A_6, %dma_start3A_18] : memref<1280x128xi32, #tpu.memory_space<hbm>> -> memref<40x128xi32, #tpu.memory_space<hbm>>
      tpu.enqueue_dma source(%dma_start3A_19 : memref<40x128xi32, #tpu.memory_space<hbm>>) target(%arg6 : memref<40x128xi32, #tpu.memory_space<vmem>>) target_semaphore(%run_scoped3A : memref<!tpu.dma_semaphore, #tpu.memory_space<semaphore_mem>>)
      %dma_wait3A = arith.constant 0 : i32
      %dma_wait3A_20 = tpu.memref_slice %arg2[%mul3A_6, %dma_wait3A] : memref<1280x128xi32, #tpu.memory_space<hbm>> -> memref<40x128xi32, #tpu.memory_space<hbm>>
      %dma_wait3A_21 = arith.constant 0 : i32
      %dma_wait3A_22 = tpu.memref_slice %arg2[%mul3A_6, %dma_wait3A_21] : memref<1280x128xi32, #tpu.memory_space<hbm>> -> memref<40x128xi32, #tpu.memory_space<hbm>>
      tpu.wait_dma2 semaphore(%run_scoped3A : memref<!tpu.dma_semaphore, #tpu.memory_space<semaphore_mem>>) src(%dma_wait3A_22 : memref<40x128xi32, #tpu.memory_space<hbm>>) dst(%arg6 : memref<40x128xi32, #tpu.memory_space<vmem>>)
      tpu.yield
    }) : () -> ()
    %barrier3A = arith.constant 0 : index
    tpu.barrier barrier_id(%barrier3A)
    %scan3A = arith.constant 0 : i32
    %scan3A_7 = arith.constant 0 : i32
    %scan3A_8 = arith.constant 40 : i32
    %scan3A_9 = arith.addi %scan3A_7, %scan3A_8 : i32
    %scan3A_10 = arith.constant 1 : i32
    scf.for %scan3A_17 = %scan3A_7 to %scan3A_9 step %scan3A_10  : i32 {
      "tpu.region"() ({
        %run_scoped3A = tpu.sem_alloc : memref<!tpu.dma_semaphore, #tpu.memory_space<semaphore_mem>>
        %dma_start3A = arith.constant 0 : i32
        %dma_start3A_18 = tpu.memref_slice %arg6[%scan3A_17, %dma_start3A] : memref<40x128xi32, #tpu.memory_space<vmem>> -> memref<1x128xi32, #tpu.memory_space<vmem>>
        %dma_start3A_19 = tpu.memref_squeeze %dma_start3A_18 : memref<1x128xi32, #tpu.memory_space<vmem>> -> memref<128xi32, #tpu.memory_space<vmem>>
        %dma_start3A_20 = arith.constant 0 : i32
        %dma_start3A_21 = arith.constant 0 : i32
        %dma_start3A_22 = tpu.memref_slice %arg9[%dma_start3A_20, %dma_start3A_21] : memref<10112x16xf32, #tpu.memory_space<vmem_shared>> -> memref<10112x16xf32, #tpu.memory_space<vmem_shared>>
        tpu.enqueue_indirect_dma source(%arg7 : memref<128x16xf32, #tpu.memory_space<vmem>>) target(%dma_start3A_22 : memref<10112x16xf32, #tpu.memory_space<vmem_shared>>) offsets(%dma_start3A_19 : memref<128xi32, #tpu.memory_space<vmem>>) semaphore(%run_scoped3A : memref<!tpu.dma_semaphore, #tpu.memory_space<semaphore_mem>>) {add = true}
        %dma_wait3A = arith.constant 0 : i32
        %dma_wait3A_23 = tpu.memref_slice %arg6[%scan3A_17, %dma_wait3A] : memref<40x128xi32, #tpu.memory_space<vmem>> -> memref<1x128xi32, #tpu.memory_space<vmem>>
        %dma_wait3A_24 = tpu.memref_squeeze %dma_wait3A_23 : memref<1x128xi32, #tpu.memory_space<vmem>> -> memref<128xi32, #tpu.memory_space<vmem>>
        %dma_wait3A_25 = arith.constant 0 : i32
        %dma_wait3A_26 = arith.constant 0 : i32
        %dma_wait3A_27 = tpu.memref_slice %arg9[%dma_wait3A_25, %dma_wait3A_26] : memref<10112x16xf32, #tpu.memory_space<vmem_shared>> -> memref<10112x16xf32, #tpu.memory_space<vmem_shared>>
        tpu.wait_indirect_dma semaphore(%run_scoped3A : memref<!tpu.dma_semaphore, #tpu.memory_space<semaphore_mem>>) src(%arg7 : memref<128x16xf32, #tpu.memory_space<vmem>>) dst(%dma_wait3A_27 : memref<10112x16xf32, #tpu.memory_space<vmem_shared>>)
        tpu.yield
      }) : () -> ()
    }
    %scan3A_11 = arith.constant 40 : i32
    %barrier3A_12 = arith.constant 0 : index
    tpu.barrier barrier_id(%barrier3A_12)
    %mul3A_13 = arith.constant 632 : i32
    %mul3A_14 = arith.muli %arg1, %mul3A_13 : i32
    "tpu.region"() ({
      %run_scoped3A = tpu.sem_alloc : memref<!tpu.dma_semaphore, #tpu.memory_space<semaphore_mem>>
      %dma_start3A = arith.constant 0 : i32
      %dma_start3A_17 = tpu.memref_slice %arg9[%mul3A_14, %dma_start3A] : memref<10112x16xf32, #tpu.memory_space<vmem_shared>> -> memref<632x16xf32, #tpu.memory_space<vmem_shared>>
      %dma_start3A_18 = arith.constant 0 : i32
      %dma_start3A_19 = tpu.memref_slice %arg9[%mul3A_14, %dma_start3A_18] : memref<10112x16xf32, #tpu.memory_space<vmem_shared>> -> memref<632x16xf32, #tpu.memory_space<vmem_shared>>
      tpu.enqueue_dma source(%dma_start3A_19 : memref<632x16xf32, #tpu.memory_space<vmem_shared>>) target(%arg8 : memref<632x16xf32, #tpu.memory_space<vmem>>) target_semaphore(%run_scoped3A : memref<!tpu.dma_semaphore, #tpu.memory_space<semaphore_mem>>)
      %dma_wait3A = arith.constant 0 : i32
      %dma_wait3A_20 = tpu.memref_slice %arg9[%mul3A_14, %dma_wait3A] : memref<10112x16xf32, #tpu.memory_space<vmem_shared>> -> memref<632x16xf32, #tpu.memory_space<vmem_shared>>
      %dma_wait3A_21 = arith.constant 0 : i32
      %dma_wait3A_22 = tpu.memref_slice %arg9[%mul3A_14, %dma_wait3A_21] : memref<10112x16xf32, #tpu.memory_space<vmem_shared>> -> memref<632x16xf32, #tpu.memory_space<vmem_shared>>
      tpu.wait_dma2 semaphore(%run_scoped3A : memref<!tpu.dma_semaphore, #tpu.memory_space<semaphore_mem>>) src(%dma_wait3A_22 : memref<632x16xf32, #tpu.memory_space<vmem_shared>>) dst(%arg8 : memref<632x16xf32, #tpu.memory_space<vmem>>)
      tpu.yield
    }) : () -> ()
    %mul3A_15 = arith.constant 632 : i32
    %mul3A_16 = arith.muli %arg1, %mul3A_15 : i32
    "tpu.region"() ({
      %run_scoped3A = tpu.sem_alloc : memref<!tpu.dma_semaphore, #tpu.memory_space<semaphore_mem>>
      %dma_start3A = arith.constant 0 : i32
      %dma_start3A_17 = tpu.memref_slice %arg5[%arg0, %mul3A_16, %dma_start3A] : memref<2x10112x16xf32, #tpu.memory_space<hbm>> -> memref<1x632x16xf32, #tpu.memory_space<hbm>>
      %dma_start3A_18 = tpu.memref_squeeze %dma_start3A_17 : memref<1x632x16xf32, #tpu.memory_space<hbm>> -> memref<632x16xf32, #tpu.memory_space<hbm>>
      %dma_start3A_19 = arith.constant 0 : i32
      %dma_start3A_20 = tpu.memref_slice %arg5[%arg0, %mul3A_16, %dma_start3A_19] : memref<2x10112x16xf32, #tpu.memory_space<hbm>> -> memref<1x632x16xf32, #tpu.memory_space<hbm>>
      %dma_start3A_21 = tpu.memref_squeeze %dma_start3A_20 : memref<1x632x16xf32, #tpu.memory_space<hbm>> -> memref<632x16xf32, #tpu.memory_space<hbm>>
      tpu.enqueue_dma source(%arg8 : memref<632x16xf32, #tpu.memory_space<vmem>>) target(%dma_start3A_21 : memref<632x16xf32, #tpu.memory_space<hbm>>) target_semaphore(%run_scoped3A : memref<!tpu.dma_semaphore, #tpu.memory_space<semaphore_mem>>)
      %dma_wait3A = arith.constant 0 : i32
      %dma_wait3A_22 = tpu.memref_slice %arg5[%arg0, %mul3A_16, %dma_wait3A] : memref<2x10112x16xf32, #tpu.memory_space<hbm>> -> memref<1x632x16xf32, #tpu.memory_space<hbm>>
      %dma_wait3A_23 = tpu.memref_squeeze %dma_wait3A_22 : memref<1x632x16xf32, #tpu.memory_space<hbm>> -> memref<632x16xf32, #tpu.memory_space<hbm>>
      %dma_wait3A_24 = arith.constant 0 : i32
      %dma_wait3A_25 = tpu.memref_slice %arg5[%arg0, %mul3A_16, %dma_wait3A_24] : memref<2x10112x16xf32, #tpu.memory_space<hbm>> -> memref<1x632x16xf32, #tpu.memory_space<hbm>>
      %dma_wait3A_26 = tpu.memref_squeeze %dma_wait3A_25 : memref<1x632x16xf32, #tpu.memory_space<hbm>> -> memref<632x16xf32, #tpu.memory_space<hbm>>
      tpu.wait_dma2 semaphore(%run_scoped3A : memref<!tpu.dma_semaphore, #tpu.memory_space<semaphore_mem>>) src(%arg8 : memref<632x16xf32, #tpu.memory_space<vmem>>) dst(%dma_wait3A_26 : memref<632x16xf32, #tpu.memory_space<hbm>>)
      tpu.yield
    }) : () -> ()
    return
  }
}

#map = affine_map<(d0, d1) -> (0, 0)>
#map1 = affine_map<(d0, d1) -> (0, 0, 0)>
module attributes {stable_mosaic.version = 14 : i64} {
  func.func @conv_kernel(%arg0: i32, %arg1: i32, %arg2: memref<10000x32xf32, #tpu.memory_space<hbm>>, %arg3: memref<1280x128xi32, #tpu.memory_space<hbm>>, %arg4: memref<1280x128xi32, #tpu.memory_space<hbm>>, %arg5: memref<10112x32xf32, #tpu.memory_space<hbm>>, %arg6: memref<2x10112x32xf32, #tpu.memory_space<hbm>>, %arg7: memref<40x128xi32, #tpu.memory_space<vmem>>, %arg8: memref<40x128xi32, #tpu.memory_space<vmem>>, %arg9: memref<128x32xf32, #tpu.memory_space<vmem>>, %arg10: memref<128x32xf32, #tpu.memory_space<vmem>>, %arg11: memref<632x32xf32, #tpu.memory_space<vmem>>, %arg12: memref<10112x32xf32, #tpu.memory_space<vmem_shared>>, %arg13: memref<!tpu.dma_semaphore, #tpu.memory_space<semaphore_mem>>, %arg14: memref<!tpu.dma_semaphore, #tpu.memory_space<semaphore_mem>>) attributes {dimension_semantics = [#tpu.dimension_semantics<core_parallel>, #tpu.dimension_semantics<subcore_parallel>], iteration_bounds = array<i64: 2, 16>, scalar_prefetch = 0 : i64, scratch_operands = 8 : i64, tpu.core_type = #tpu.core_type<sc_vector_subcore>, window_params = [{transform_indices = #map}, {transform_indices = #map}, {transform_indices = #map}, {transform_indices = #map}, {transform_indices = #map1}]} {
    %mul3A = arith.constant 16 : i32
    %mul3A_0 = arith.muli %arg0, %mul3A : i32
    %add3A = arith.addi %mul3A_0, %arg1 : i32
    %mul3A_1 = arith.constant 632 : i32
    %mul3A_2 = arith.muli %arg1, %mul3A_1 : i32
    "tpu.region"() ({
      %run_scoped3A = tpu.sem_alloc : memref<!tpu.dma_semaphore, #tpu.memory_space<semaphore_mem>>
      %dma_start3A_31 = arith.constant 0 : i32
      %dma_start3A_32 = tpu.memref_slice %arg5[%mul3A_2, %dma_start3A_31] : memref<10112x32xf32, #tpu.memory_space<hbm>> -> memref<632x32xf32, #tpu.memory_space<hbm>>
      %dma_start3A_33 = arith.constant 0 : i32
      %dma_start3A_34 = tpu.memref_slice %arg5[%mul3A_2, %dma_start3A_33] : memref<10112x32xf32, #tpu.memory_space<hbm>> -> memref<632x32xf32, #tpu.memory_space<hbm>>
      tpu.enqueue_dma source(%dma_start3A_34 : memref<632x32xf32, #tpu.memory_space<hbm>>) target(%arg11 : memref<632x32xf32, #tpu.memory_space<vmem>>) target_semaphore(%run_scoped3A : memref<!tpu.dma_semaphore, #tpu.memory_space<semaphore_mem>>)
      %dma_wait3A_35 = arith.constant 0 : i32
      %dma_wait3A_36 = tpu.memref_slice %arg5[%mul3A_2, %dma_wait3A_35] : memref<10112x32xf32, #tpu.memory_space<hbm>> -> memref<632x32xf32, #tpu.memory_space<hbm>>
      %dma_wait3A_37 = arith.constant 0 : i32
      %dma_wait3A_38 = tpu.memref_slice %arg5[%mul3A_2, %dma_wait3A_37] : memref<10112x32xf32, #tpu.memory_space<hbm>> -> memref<632x32xf32, #tpu.memory_space<hbm>>
      tpu.wait_dma2 semaphore(%run_scoped3A : memref<!tpu.dma_semaphore, #tpu.memory_space<semaphore_mem>>) src(%dma_wait3A_38 : memref<632x32xf32, #tpu.memory_space<hbm>>) dst(%arg11 : memref<632x32xf32, #tpu.memory_space<vmem>>)
      tpu.yield
    }) : () -> ()
    %mul3A_3 = arith.constant 632 : i32
    %mul3A_4 = arith.muli %arg1, %mul3A_3 : i32
    "tpu.region"() ({
      %run_scoped3A = tpu.sem_alloc : memref<!tpu.dma_semaphore, #tpu.memory_space<semaphore_mem>>
      %dma_start3A_31 = arith.constant 0 : i32
      %dma_start3A_32 = tpu.memref_slice %arg12[%mul3A_4, %dma_start3A_31] : memref<10112x32xf32, #tpu.memory_space<vmem_shared>> -> memref<632x32xf32, #tpu.memory_space<vmem_shared>>
      %dma_start3A_33 = arith.constant 0 : i32
      %dma_start3A_34 = tpu.memref_slice %arg12[%mul3A_4, %dma_start3A_33] : memref<10112x32xf32, #tpu.memory_space<vmem_shared>> -> memref<632x32xf32, #tpu.memory_space<vmem_shared>>
      tpu.enqueue_dma source(%arg11 : memref<632x32xf32, #tpu.memory_space<vmem>>) target(%dma_start3A_34 : memref<632x32xf32, #tpu.memory_space<vmem_shared>>) target_semaphore(%run_scoped3A : memref<!tpu.dma_semaphore, #tpu.memory_space<semaphore_mem>>)
      %dma_wait3A_35 = arith.constant 0 : i32
      %dma_wait3A_36 = tpu.memref_slice %arg12[%mul3A_4, %dma_wait3A_35] : memref<10112x32xf32, #tpu.memory_space<vmem_shared>> -> memref<632x32xf32, #tpu.memory_space<vmem_shared>>
      %dma_wait3A_37 = arith.constant 0 : i32
      %dma_wait3A_38 = tpu.memref_slice %arg12[%mul3A_4, %dma_wait3A_37] : memref<10112x32xf32, #tpu.memory_space<vmem_shared>> -> memref<632x32xf32, #tpu.memory_space<vmem_shared>>
      tpu.wait_dma2 semaphore(%run_scoped3A : memref<!tpu.dma_semaphore, #tpu.memory_space<semaphore_mem>>) src(%arg11 : memref<632x32xf32, #tpu.memory_space<vmem>>) dst(%dma_wait3A_38 : memref<632x32xf32, #tpu.memory_space<vmem_shared>>)
      tpu.yield
    }) : () -> ()
    %mul3A_5 = arith.constant 40 : i32
    %mul3A_6 = arith.muli %add3A, %mul3A_5 : i32
    "tpu.region"() ({
      %run_scoped3A = tpu.sem_alloc : memref<!tpu.dma_semaphore, #tpu.memory_space<semaphore_mem>>
      %dma_start3A_31 = arith.constant 0 : i32
      %dma_start3A_32 = tpu.memref_slice %arg3[%mul3A_6, %dma_start3A_31] : memref<1280x128xi32, #tpu.memory_space<hbm>> -> memref<40x128xi32, #tpu.memory_space<hbm>>
      %dma_start3A_33 = arith.constant 0 : i32
      %dma_start3A_34 = tpu.memref_slice %arg3[%mul3A_6, %dma_start3A_33] : memref<1280x128xi32, #tpu.memory_space<hbm>> -> memref<40x128xi32, #tpu.memory_space<hbm>>
      tpu.enqueue_dma source(%dma_start3A_34 : memref<40x128xi32, #tpu.memory_space<hbm>>) target(%arg7 : memref<40x128xi32, #tpu.memory_space<vmem>>) target_semaphore(%run_scoped3A : memref<!tpu.dma_semaphore, #tpu.memory_space<semaphore_mem>>)
      %dma_wait3A_35 = arith.constant 0 : i32
      %dma_wait3A_36 = tpu.memref_slice %arg3[%mul3A_6, %dma_wait3A_35] : memref<1280x128xi32, #tpu.memory_space<hbm>> -> memref<40x128xi32, #tpu.memory_space<hbm>>
      %dma_wait3A_37 = arith.constant 0 : i32
      %dma_wait3A_38 = tpu.memref_slice %arg3[%mul3A_6, %dma_wait3A_37] : memref<1280x128xi32, #tpu.memory_space<hbm>> -> memref<40x128xi32, #tpu.memory_space<hbm>>
      tpu.wait_dma2 semaphore(%run_scoped3A : memref<!tpu.dma_semaphore, #tpu.memory_space<semaphore_mem>>) src(%dma_wait3A_38 : memref<40x128xi32, #tpu.memory_space<hbm>>) dst(%arg7 : memref<40x128xi32, #tpu.memory_space<vmem>>)
      tpu.yield
    }) : () -> ()
    %mul3A_7 = arith.constant 40 : i32
    %mul3A_8 = arith.muli %add3A, %mul3A_7 : i32
    "tpu.region"() ({
      %run_scoped3A = tpu.sem_alloc : memref<!tpu.dma_semaphore, #tpu.memory_space<semaphore_mem>>
      %dma_start3A_31 = arith.constant 0 : i32
      %dma_start3A_32 = tpu.memref_slice %arg4[%mul3A_8, %dma_start3A_31] : memref<1280x128xi32, #tpu.memory_space<hbm>> -> memref<40x128xi32, #tpu.memory_space<hbm>>
      %dma_start3A_33 = arith.constant 0 : i32
      %dma_start3A_34 = tpu.memref_slice %arg4[%mul3A_8, %dma_start3A_33] : memref<1280x128xi32, #tpu.memory_space<hbm>> -> memref<40x128xi32, #tpu.memory_space<hbm>>
      tpu.enqueue_dma source(%dma_start3A_34 : memref<40x128xi32, #tpu.memory_space<hbm>>) target(%arg8 : memref<40x128xi32, #tpu.memory_space<vmem>>) target_semaphore(%run_scoped3A : memref<!tpu.dma_semaphore, #tpu.memory_space<semaphore_mem>>)
      %dma_wait3A_35 = arith.constant 0 : i32
      %dma_wait3A_36 = tpu.memref_slice %arg4[%mul3A_8, %dma_wait3A_35] : memref<1280x128xi32, #tpu.memory_space<hbm>> -> memref<40x128xi32, #tpu.memory_space<hbm>>
      %dma_wait3A_37 = arith.constant 0 : i32
      %dma_wait3A_38 = tpu.memref_slice %arg4[%mul3A_8, %dma_wait3A_37] : memref<1280x128xi32, #tpu.memory_space<hbm>> -> memref<40x128xi32, #tpu.memory_space<hbm>>
      tpu.wait_dma2 semaphore(%run_scoped3A : memref<!tpu.dma_semaphore, #tpu.memory_space<semaphore_mem>>) src(%dma_wait3A_38 : memref<40x128xi32, #tpu.memory_space<hbm>>) dst(%arg8 : memref<40x128xi32, #tpu.memory_space<vmem>>)
      tpu.yield
    }) : () -> ()
    %barrier3A = arith.constant 0 : index
    tpu.barrier barrier_id(%barrier3A)
    %dma_start3A = arith.constant 0 : i32
    %dma_start3A_9 = arith.constant 0 : i32
    %dma_start3A_10 = tpu.memref_slice %arg7[%dma_start3A, %dma_start3A_9] : memref<40x128xi32, #tpu.memory_space<vmem>> -> memref<1x128xi32, #tpu.memory_space<vmem>>
    %dma_start3A_11 = tpu.memref_squeeze %dma_start3A_10 : memref<1x128xi32, #tpu.memory_space<vmem>> -> memref<128xi32, #tpu.memory_space<vmem>>
    %dma_start3A_12 = arith.constant 0 : i32
    %dma_start3A_13 = arith.constant 0 : i32
    %dma_start3A_14 = tpu.memref_slice %arg2[%dma_start3A_12, %dma_start3A_13] : memref<10000x32xf32, #tpu.memory_space<hbm>> -> memref<10000x32xf32, #tpu.memory_space<hbm>>
    tpu.enqueue_indirect_dma source(%dma_start3A_14 : memref<10000x32xf32, #tpu.memory_space<hbm>>) target(%arg9 : memref<128x32xf32, #tpu.memory_space<vmem>>) offsets(%dma_start3A_11 : memref<128xi32, #tpu.memory_space<vmem>>) semaphore(%arg13 : memref<!tpu.dma_semaphore, #tpu.memory_space<semaphore_mem>>)
    %scan3A = arith.constant 0 : i32
    %scan3A_15 = arith.constant 0 : i32
    %scan3A_16 = arith.constant 20 : i32
    %scan3A_17 = arith.addi %scan3A_15, %scan3A_16 : i32
    %scan3A_18 = arith.constant 1 : i32
    scf.for %scan3A_31 = %scan3A_15 to %scan3A_17 step %scan3A_18  : i32 {
      %mul3A_32 = arith.constant 2 : i32
      %mul3A_33 = arith.muli %mul3A_32, %scan3A_31 : i32
      %add3A_34 = arith.constant 1 : i32
      %add3A_35 = arith.addi %mul3A_33, %add3A_34 : i32
      %dma_start3A_36 = arith.constant 0 : i32
      %dma_start3A_37 = tpu.memref_slice %arg7[%add3A_35, %dma_start3A_36] : memref<40x128xi32, #tpu.memory_space<vmem>> -> memref<1x128xi32, #tpu.memory_space<vmem>>
      %dma_start3A_38 = tpu.memref_squeeze %dma_start3A_37 : memref<1x128xi32, #tpu.memory_space<vmem>> -> memref<128xi32, #tpu.memory_space<vmem>>
      %dma_start3A_39 = arith.constant 0 : i32
      %dma_start3A_40 = arith.constant 0 : i32
      %dma_start3A_41 = tpu.memref_slice %arg2[%dma_start3A_39, %dma_start3A_40] : memref<10000x32xf32, #tpu.memory_space<hbm>> -> memref<10000x32xf32, #tpu.memory_space<hbm>>
      tpu.enqueue_indirect_dma source(%dma_start3A_41 : memref<10000x32xf32, #tpu.memory_space<hbm>>) target(%arg10 : memref<128x32xf32, #tpu.memory_space<vmem>>) offsets(%dma_start3A_38 : memref<128xi32, #tpu.memory_space<vmem>>) semaphore(%arg14 : memref<!tpu.dma_semaphore, #tpu.memory_space<semaphore_mem>>)
      %dma_wait3A_42 = arith.constant 0 : i32
      %dma_wait3A_43 = tpu.memref_slice %arg7[%mul3A_33, %dma_wait3A_42] : memref<40x128xi32, #tpu.memory_space<vmem>> -> memref<1x128xi32, #tpu.memory_space<vmem>>
      %dma_wait3A_44 = tpu.memref_squeeze %dma_wait3A_43 : memref<1x128xi32, #tpu.memory_space<vmem>> -> memref<128xi32, #tpu.memory_space<vmem>>
      %dma_wait3A_45 = arith.constant 0 : i32
      %dma_wait3A_46 = arith.constant 0 : i32
      %dma_wait3A_47 = tpu.memref_slice %arg2[%dma_wait3A_45, %dma_wait3A_46] : memref<10000x32xf32, #tpu.memory_space<hbm>> -> memref<10000x32xf32, #tpu.memory_space<hbm>>
      tpu.wait_indirect_dma semaphore(%arg13 : memref<!tpu.dma_semaphore, #tpu.memory_space<semaphore_mem>>) src(%dma_wait3A_47 : memref<10000x32xf32, #tpu.memory_space<hbm>>) dst(%arg9 : memref<128x32xf32, #tpu.memory_space<vmem>>)
      "tpu.region"() ({
        %run_scoped3A = tpu.sem_alloc : memref<!tpu.dma_semaphore, #tpu.memory_space<semaphore_mem>>
        %dma_start3A_65 = arith.constant 0 : i32
        %dma_start3A_66 = tpu.memref_slice %arg8[%mul3A_33, %dma_start3A_65] : memref<40x128xi32, #tpu.memory_space<vmem>> -> memref<1x128xi32, #tpu.memory_space<vmem>>
        %dma_start3A_67 = tpu.memref_squeeze %dma_start3A_66 : memref<1x128xi32, #tpu.memory_space<vmem>> -> memref<128xi32, #tpu.memory_space<vmem>>
        %dma_start3A_68 = arith.constant 0 : i32
        %dma_start3A_69 = arith.constant 0 : i32
        %dma_start3A_70 = tpu.memref_slice %arg12[%dma_start3A_68, %dma_start3A_69] : memref<10112x32xf32, #tpu.memory_space<vmem_shared>> -> memref<10112x32xf32, #tpu.memory_space<vmem_shared>>
        tpu.enqueue_indirect_dma source(%arg9 : memref<128x32xf32, #tpu.memory_space<vmem>>) target(%dma_start3A_70 : memref<10112x32xf32, #tpu.memory_space<vmem_shared>>) offsets(%dma_start3A_67 : memref<128xi32, #tpu.memory_space<vmem>>) semaphore(%run_scoped3A : memref<!tpu.dma_semaphore, #tpu.memory_space<semaphore_mem>>) {add = true}
        %dma_wait3A_71 = arith.constant 0 : i32
        %dma_wait3A_72 = tpu.memref_slice %arg8[%mul3A_33, %dma_wait3A_71] : memref<40x128xi32, #tpu.memory_space<vmem>> -> memref<1x128xi32, #tpu.memory_space<vmem>>
        %dma_wait3A_73 = tpu.memref_squeeze %dma_wait3A_72 : memref<1x128xi32, #tpu.memory_space<vmem>> -> memref<128xi32, #tpu.memory_space<vmem>>
        %dma_wait3A_74 = arith.constant 0 : i32
        %dma_wait3A_75 = arith.constant 0 : i32
        %dma_wait3A_76 = tpu.memref_slice %arg12[%dma_wait3A_74, %dma_wait3A_75] : memref<10112x32xf32, #tpu.memory_space<vmem_shared>> -> memref<10112x32xf32, #tpu.memory_space<vmem_shared>>
        tpu.wait_indirect_dma semaphore(%run_scoped3A : memref<!tpu.dma_semaphore, #tpu.memory_space<semaphore_mem>>) src(%arg9 : memref<128x32xf32, #tpu.memory_space<vmem>>) dst(%dma_wait3A_76 : memref<10112x32xf32, #tpu.memory_space<vmem_shared>>)
        tpu.yield
      }) : () -> ()
      %add3A_48 = arith.constant 2 : i32
      %add3A_49 = arith.addi %mul3A_33, %add3A_48 : i32
      %min3A = arith.constant 39 : i32
      %min3A_50 = arith.minsi %add3A_49, %min3A : i32
      %dma_start3A_51 = arith.constant 0 : i32
      %dma_start3A_52 = tpu.memref_slice %arg7[%min3A_50, %dma_start3A_51] : memref<40x128xi32, #tpu.memory_space<vmem>> -> memref<1x128xi32, #tpu.memory_space<vmem>>
      %dma_start3A_53 = tpu.memref_squeeze %dma_start3A_52 : memref<1x128xi32, #tpu.memory_space<vmem>> -> memref<128xi32, #tpu.memory_space<vmem>>
      %dma_start3A_54 = arith.constant 0 : i32
      %dma_start3A_55 = arith.constant 0 : i32
      %dma_start3A_56 = tpu.memref_slice %arg2[%dma_start3A_54, %dma_start3A_55] : memref<10000x32xf32, #tpu.memory_space<hbm>> -> memref<10000x32xf32, #tpu.memory_space<hbm>>
      tpu.enqueue_indirect_dma source(%dma_start3A_56 : memref<10000x32xf32, #tpu.memory_space<hbm>>) target(%arg9 : memref<128x32xf32, #tpu.memory_space<vmem>>) offsets(%dma_start3A_53 : memref<128xi32, #tpu.memory_space<vmem>>) semaphore(%arg13 : memref<!tpu.dma_semaphore, #tpu.memory_space<semaphore_mem>>)
      %dma_wait3A_57 = arith.constant 0 : i32
      %dma_wait3A_58 = tpu.memref_slice %arg7[%add3A_35, %dma_wait3A_57] : memref<40x128xi32, #tpu.memory_space<vmem>> -> memref<1x128xi32, #tpu.memory_space<vmem>>
      %dma_wait3A_59 = tpu.memref_squeeze %dma_wait3A_58 : memref<1x128xi32, #tpu.memory_space<vmem>> -> memref<128xi32, #tpu.memory_space<vmem>>
      %dma_wait3A_60 = arith.constant 0 : i32
      %dma_wait3A_61 = arith.constant 0 : i32
      %dma_wait3A_62 = tpu.memref_slice %arg2[%dma_wait3A_60, %dma_wait3A_61] : memref<10000x32xf32, #tpu.memory_space<hbm>> -> memref<10000x32xf32, #tpu.memory_space<hbm>>
      tpu.wait_indirect_dma semaphore(%arg14 : memref<!tpu.dma_semaphore, #tpu.memory_space<semaphore_mem>>) src(%dma_wait3A_62 : memref<10000x32xf32, #tpu.memory_space<hbm>>) dst(%arg10 : memref<128x32xf32, #tpu.memory_space<vmem>>)
      %add3A_63 = arith.constant 1 : i32
      %add3A_64 = arith.addi %mul3A_33, %add3A_63 : i32
      "tpu.region"() ({
        %run_scoped3A = tpu.sem_alloc : memref<!tpu.dma_semaphore, #tpu.memory_space<semaphore_mem>>
        %dma_start3A_65 = arith.constant 0 : i32
        %dma_start3A_66 = tpu.memref_slice %arg8[%add3A_64, %dma_start3A_65] : memref<40x128xi32, #tpu.memory_space<vmem>> -> memref<1x128xi32, #tpu.memory_space<vmem>>
        %dma_start3A_67 = tpu.memref_squeeze %dma_start3A_66 : memref<1x128xi32, #tpu.memory_space<vmem>> -> memref<128xi32, #tpu.memory_space<vmem>>
        %dma_start3A_68 = arith.constant 0 : i32
        %dma_start3A_69 = arith.constant 0 : i32
        %dma_start3A_70 = tpu.memref_slice %arg12[%dma_start3A_68, %dma_start3A_69] : memref<10112x32xf32, #tpu.memory_space<vmem_shared>> -> memref<10112x32xf32, #tpu.memory_space<vmem_shared>>
        tpu.enqueue_indirect_dma source(%arg10 : memref<128x32xf32, #tpu.memory_space<vmem>>) target(%dma_start3A_70 : memref<10112x32xf32, #tpu.memory_space<vmem_shared>>) offsets(%dma_start3A_67 : memref<128xi32, #tpu.memory_space<vmem>>) semaphore(%run_scoped3A : memref<!tpu.dma_semaphore, #tpu.memory_space<semaphore_mem>>) {add = true}
        %dma_wait3A_71 = arith.constant 0 : i32
        %dma_wait3A_72 = tpu.memref_slice %arg8[%add3A_64, %dma_wait3A_71] : memref<40x128xi32, #tpu.memory_space<vmem>> -> memref<1x128xi32, #tpu.memory_space<vmem>>
        %dma_wait3A_73 = tpu.memref_squeeze %dma_wait3A_72 : memref<1x128xi32, #tpu.memory_space<vmem>> -> memref<128xi32, #tpu.memory_space<vmem>>
        %dma_wait3A_74 = arith.constant 0 : i32
        %dma_wait3A_75 = arith.constant 0 : i32
        %dma_wait3A_76 = tpu.memref_slice %arg12[%dma_wait3A_74, %dma_wait3A_75] : memref<10112x32xf32, #tpu.memory_space<vmem_shared>> -> memref<10112x32xf32, #tpu.memory_space<vmem_shared>>
        tpu.wait_indirect_dma semaphore(%run_scoped3A : memref<!tpu.dma_semaphore, #tpu.memory_space<semaphore_mem>>) src(%arg10 : memref<128x32xf32, #tpu.memory_space<vmem>>) dst(%dma_wait3A_76 : memref<10112x32xf32, #tpu.memory_space<vmem_shared>>)
        tpu.yield
      }) : () -> ()
    }
    %scan3A_19 = arith.constant 20 : i32
    %dma_wait3A = arith.constant 39 : i32
    %dma_wait3A_20 = arith.constant 0 : i32
    %dma_wait3A_21 = tpu.memref_slice %arg7[%dma_wait3A, %dma_wait3A_20] : memref<40x128xi32, #tpu.memory_space<vmem>> -> memref<1x128xi32, #tpu.memory_space<vmem>>
    %dma_wait3A_22 = tpu.memref_squeeze %dma_wait3A_21 : memref<1x128xi32, #tpu.memory_space<vmem>> -> memref<128xi32, #tpu.memory_space<vmem>>
    %dma_wait3A_23 = arith.constant 0 : i32
    %dma_wait3A_24 = arith.constant 0 : i32
    %dma_wait3A_25 = tpu.memref_slice %arg2[%dma_wait3A_23, %dma_wait3A_24] : memref<10000x32xf32, #tpu.memory_space<hbm>> -> memref<10000x32xf32, #tpu.memory_space<hbm>>
    tpu.wait_indirect_dma semaphore(%arg13 : memref<!tpu.dma_semaphore, #tpu.memory_space<semaphore_mem>>) src(%dma_wait3A_25 : memref<10000x32xf32, #tpu.memory_space<hbm>>) dst(%arg9 : memref<128x32xf32, #tpu.memory_space<vmem>>)
    %barrier3A_26 = arith.constant 0 : index
    tpu.barrier barrier_id(%barrier3A_26)
    %mul3A_27 = arith.constant 632 : i32
    %mul3A_28 = arith.muli %arg1, %mul3A_27 : i32
    "tpu.region"() ({
      %run_scoped3A = tpu.sem_alloc : memref<!tpu.dma_semaphore, #tpu.memory_space<semaphore_mem>>
      %dma_start3A_31 = arith.constant 0 : i32
      %dma_start3A_32 = tpu.memref_slice %arg12[%mul3A_28, %dma_start3A_31] : memref<10112x32xf32, #tpu.memory_space<vmem_shared>> -> memref<632x32xf32, #tpu.memory_space<vmem_shared>>
      %dma_start3A_33 = arith.constant 0 : i32
      %dma_start3A_34 = tpu.memref_slice %arg12[%mul3A_28, %dma_start3A_33] : memref<10112x32xf32, #tpu.memory_space<vmem_shared>> -> memref<632x32xf32, #tpu.memory_space<vmem_shared>>
      tpu.enqueue_dma source(%dma_start3A_34 : memref<632x32xf32, #tpu.memory_space<vmem_shared>>) target(%arg11 : memref<632x32xf32, #tpu.memory_space<vmem>>) target_semaphore(%run_scoped3A : memref<!tpu.dma_semaphore, #tpu.memory_space<semaphore_mem>>)
      %dma_wait3A_35 = arith.constant 0 : i32
      %dma_wait3A_36 = tpu.memref_slice %arg12[%mul3A_28, %dma_wait3A_35] : memref<10112x32xf32, #tpu.memory_space<vmem_shared>> -> memref<632x32xf32, #tpu.memory_space<vmem_shared>>
      %dma_wait3A_37 = arith.constant 0 : i32
      %dma_wait3A_38 = tpu.memref_slice %arg12[%mul3A_28, %dma_wait3A_37] : memref<10112x32xf32, #tpu.memory_space<vmem_shared>> -> memref<632x32xf32, #tpu.memory_space<vmem_shared>>
      tpu.wait_dma2 semaphore(%run_scoped3A : memref<!tpu.dma_semaphore, #tpu.memory_space<semaphore_mem>>) src(%dma_wait3A_38 : memref<632x32xf32, #tpu.memory_space<vmem_shared>>) dst(%arg11 : memref<632x32xf32, #tpu.memory_space<vmem>>)
      tpu.yield
    }) : () -> ()
    %mul3A_29 = arith.constant 632 : i32
    %mul3A_30 = arith.muli %arg1, %mul3A_29 : i32
    "tpu.region"() ({
      %run_scoped3A = tpu.sem_alloc : memref<!tpu.dma_semaphore, #tpu.memory_space<semaphore_mem>>
      %dma_start3A_31 = arith.constant 0 : i32
      %dma_start3A_32 = tpu.memref_slice %arg6[%arg0, %mul3A_30, %dma_start3A_31] : memref<2x10112x32xf32, #tpu.memory_space<hbm>> -> memref<1x632x32xf32, #tpu.memory_space<hbm>>
      %dma_start3A_33 = tpu.memref_squeeze %dma_start3A_32 : memref<1x632x32xf32, #tpu.memory_space<hbm>> -> memref<632x32xf32, #tpu.memory_space<hbm>>
      %dma_start3A_34 = arith.constant 0 : i32
      %dma_start3A_35 = tpu.memref_slice %arg6[%arg0, %mul3A_30, %dma_start3A_34] : memref<2x10112x32xf32, #tpu.memory_space<hbm>> -> memref<1x632x32xf32, #tpu.memory_space<hbm>>
      %dma_start3A_36 = tpu.memref_squeeze %dma_start3A_35 : memref<1x632x32xf32, #tpu.memory_space<hbm>> -> memref<632x32xf32, #tpu.memory_space<hbm>>
      tpu.enqueue_dma source(%arg11 : memref<632x32xf32, #tpu.memory_space<vmem>>) target(%dma_start3A_36 : memref<632x32xf32, #tpu.memory_space<hbm>>) target_semaphore(%run_scoped3A : memref<!tpu.dma_semaphore, #tpu.memory_space<semaphore_mem>>)
      %dma_wait3A_37 = arith.constant 0 : i32
      %dma_wait3A_38 = tpu.memref_slice %arg6[%arg0, %mul3A_30, %dma_wait3A_37] : memref<2x10112x32xf32, #tpu.memory_space<hbm>> -> memref<1x632x32xf32, #tpu.memory_space<hbm>>
      %dma_wait3A_39 = tpu.memref_squeeze %dma_wait3A_38 : memref<1x632x32xf32, #tpu.memory_space<hbm>> -> memref<632x32xf32, #tpu.memory_space<hbm>>
      %dma_wait3A_40 = arith.constant 0 : i32
      %dma_wait3A_41 = tpu.memref_slice %arg6[%arg0, %mul3A_30, %dma_wait3A_40] : memref<2x10112x32xf32, #tpu.memory_space<hbm>> -> memref<1x632x32xf32, #tpu.memory_space<hbm>>
      %dma_wait3A_42 = tpu.memref_squeeze %dma_wait3A_41 : memref<1x632x32xf32, #tpu.memory_space<hbm>> -> memref<632x32xf32, #tpu.memory_space<hbm>>
      tpu.wait_dma2 semaphore(%run_scoped3A : memref<!tpu.dma_semaphore, #tpu.memory_space<semaphore_mem>>) src(%arg11 : memref<632x32xf32, #tpu.memory_space<vmem>>) dst(%dma_wait3A_42 : memref<632x32xf32, #tpu.memory_space<hbm>>)
      tpu.yield
    }) : () -> ()
    return
  }
}

#map = affine_map<(d0, d1) -> (0, 0)>
#map1 = affine_map<(d0, d1) -> (0, 0, 0)>
module attributes {stable_mosaic.version = 14 : i64} {
  func.func @conv_kernel(%arg0: i32, %arg1: i32, %arg2: memref<10000x16xf32, #tpu.memory_space<hbm>>, %arg3: memref<1280x128xi32, #tpu.memory_space<hbm>>, %arg4: memref<1280x128xi32, #tpu.memory_space<hbm>>, %arg5: memref<10112x16xf32, #tpu.memory_space<hbm>>, %arg6: memref<2x10112x16xf32, #tpu.memory_space<hbm>>, %arg7: memref<40x128xi32, #tpu.memory_space<vmem>>, %arg8: memref<40x128xi32, #tpu.memory_space<vmem>>, %arg9: memref<128x16xf32, #tpu.memory_space<vmem>>, %arg10: memref<128x16xf32, #tpu.memory_space<vmem>>, %arg11: memref<632x16xf32, #tpu.memory_space<vmem>>, %arg12: memref<10112x16xf32, #tpu.memory_space<vmem_shared>>, %arg13: memref<!tpu.dma_semaphore, #tpu.memory_space<semaphore_mem>>, %arg14: memref<!tpu.dma_semaphore, #tpu.memory_space<semaphore_mem>>) attributes {dimension_semantics = [#tpu.dimension_semantics<core_parallel>, #tpu.dimension_semantics<subcore_parallel>], iteration_bounds = array<i64: 2, 16>, scalar_prefetch = 0 : i64, scratch_operands = 8 : i64, tpu.core_type = #tpu.core_type<sc_vector_subcore>, window_params = [{transform_indices = #map}, {transform_indices = #map}, {transform_indices = #map}, {transform_indices = #map}, {transform_indices = #map1}]} {
    %mul3A = arith.constant 16 : i32
    %mul3A_0 = arith.muli %arg0, %mul3A : i32
    %add3A = arith.addi %mul3A_0, %arg1 : i32
    %mul3A_1 = arith.constant 632 : i32
    %mul3A_2 = arith.muli %arg1, %mul3A_1 : i32
    "tpu.region"() ({
      %run_scoped3A = tpu.sem_alloc : memref<!tpu.dma_semaphore, #tpu.memory_space<semaphore_mem>>
      %dma_start3A_31 = arith.constant 0 : i32
      %dma_start3A_32 = tpu.memref_slice %arg5[%mul3A_2, %dma_start3A_31] : memref<10112x16xf32, #tpu.memory_space<hbm>> -> memref<632x16xf32, #tpu.memory_space<hbm>>
      %dma_start3A_33 = arith.constant 0 : i32
      %dma_start3A_34 = tpu.memref_slice %arg5[%mul3A_2, %dma_start3A_33] : memref<10112x16xf32, #tpu.memory_space<hbm>> -> memref<632x16xf32, #tpu.memory_space<hbm>>
      tpu.enqueue_dma source(%dma_start3A_34 : memref<632x16xf32, #tpu.memory_space<hbm>>) target(%arg11 : memref<632x16xf32, #tpu.memory_space<vmem>>) target_semaphore(%run_scoped3A : memref<!tpu.dma_semaphore, #tpu.memory_space<semaphore_mem>>)
      %dma_wait3A_35 = arith.constant 0 : i32
      %dma_wait3A_36 = tpu.memref_slice %arg5[%mul3A_2, %dma_wait3A_35] : memref<10112x16xf32, #tpu.memory_space<hbm>> -> memref<632x16xf32, #tpu.memory_space<hbm>>
      %dma_wait3A_37 = arith.constant 0 : i32
      %dma_wait3A_38 = tpu.memref_slice %arg5[%mul3A_2, %dma_wait3A_37] : memref<10112x16xf32, #tpu.memory_space<hbm>> -> memref<632x16xf32, #tpu.memory_space<hbm>>
      tpu.wait_dma2 semaphore(%run_scoped3A : memref<!tpu.dma_semaphore, #tpu.memory_space<semaphore_mem>>) src(%dma_wait3A_38 : memref<632x16xf32, #tpu.memory_space<hbm>>) dst(%arg11 : memref<632x16xf32, #tpu.memory_space<vmem>>)
      tpu.yield
    }) : () -> ()
    %mul3A_3 = arith.constant 632 : i32
    %mul3A_4 = arith.muli %arg1, %mul3A_3 : i32
    "tpu.region"() ({
      %run_scoped3A = tpu.sem_alloc : memref<!tpu.dma_semaphore, #tpu.memory_space<semaphore_mem>>
      %dma_start3A_31 = arith.constant 0 : i32
      %dma_start3A_32 = tpu.memref_slice %arg12[%mul3A_4, %dma_start3A_31] : memref<10112x16xf32, #tpu.memory_space<vmem_shared>> -> memref<632x16xf32, #tpu.memory_space<vmem_shared>>
      %dma_start3A_33 = arith.constant 0 : i32
      %dma_start3A_34 = tpu.memref_slice %arg12[%mul3A_4, %dma_start3A_33] : memref<10112x16xf32, #tpu.memory_space<vmem_shared>> -> memref<632x16xf32, #tpu.memory_space<vmem_shared>>
      tpu.enqueue_dma source(%arg11 : memref<632x16xf32, #tpu.memory_space<vmem>>) target(%dma_start3A_34 : memref<632x16xf32, #tpu.memory_space<vmem_shared>>) target_semaphore(%run_scoped3A : memref<!tpu.dma_semaphore, #tpu.memory_space<semaphore_mem>>)
      %dma_wait3A_35 = arith.constant 0 : i32
      %dma_wait3A_36 = tpu.memref_slice %arg12[%mul3A_4, %dma_wait3A_35] : memref<10112x16xf32, #tpu.memory_space<vmem_shared>> -> memref<632x16xf32, #tpu.memory_space<vmem_shared>>
      %dma_wait3A_37 = arith.constant 0 : i32
      %dma_wait3A_38 = tpu.memref_slice %arg12[%mul3A_4, %dma_wait3A_37] : memref<10112x16xf32, #tpu.memory_space<vmem_shared>> -> memref<632x16xf32, #tpu.memory_space<vmem_shared>>
      tpu.wait_dma2 semaphore(%run_scoped3A : memref<!tpu.dma_semaphore, #tpu.memory_space<semaphore_mem>>) src(%arg11 : memref<632x16xf32, #tpu.memory_space<vmem>>) dst(%dma_wait3A_38 : memref<632x16xf32, #tpu.memory_space<vmem_shared>>)
      tpu.yield
    }) : () -> ()
    %mul3A_5 = arith.constant 40 : i32
    %mul3A_6 = arith.muli %add3A, %mul3A_5 : i32
    "tpu.region"() ({
      %run_scoped3A = tpu.sem_alloc : memref<!tpu.dma_semaphore, #tpu.memory_space<semaphore_mem>>
      %dma_start3A_31 = arith.constant 0 : i32
      %dma_start3A_32 = tpu.memref_slice %arg3[%mul3A_6, %dma_start3A_31] : memref<1280x128xi32, #tpu.memory_space<hbm>> -> memref<40x128xi32, #tpu.memory_space<hbm>>
      %dma_start3A_33 = arith.constant 0 : i32
      %dma_start3A_34 = tpu.memref_slice %arg3[%mul3A_6, %dma_start3A_33] : memref<1280x128xi32, #tpu.memory_space<hbm>> -> memref<40x128xi32, #tpu.memory_space<hbm>>
      tpu.enqueue_dma source(%dma_start3A_34 : memref<40x128xi32, #tpu.memory_space<hbm>>) target(%arg7 : memref<40x128xi32, #tpu.memory_space<vmem>>) target_semaphore(%run_scoped3A : memref<!tpu.dma_semaphore, #tpu.memory_space<semaphore_mem>>)
      %dma_wait3A_35 = arith.constant 0 : i32
      %dma_wait3A_36 = tpu.memref_slice %arg3[%mul3A_6, %dma_wait3A_35] : memref<1280x128xi32, #tpu.memory_space<hbm>> -> memref<40x128xi32, #tpu.memory_space<hbm>>
      %dma_wait3A_37 = arith.constant 0 : i32
      %dma_wait3A_38 = tpu.memref_slice %arg3[%mul3A_6, %dma_wait3A_37] : memref<1280x128xi32, #tpu.memory_space<hbm>> -> memref<40x128xi32, #tpu.memory_space<hbm>>
      tpu.wait_dma2 semaphore(%run_scoped3A : memref<!tpu.dma_semaphore, #tpu.memory_space<semaphore_mem>>) src(%dma_wait3A_38 : memref<40x128xi32, #tpu.memory_space<hbm>>) dst(%arg7 : memref<40x128xi32, #tpu.memory_space<vmem>>)
      tpu.yield
    }) : () -> ()
    %mul3A_7 = arith.constant 40 : i32
    %mul3A_8 = arith.muli %add3A, %mul3A_7 : i32
    "tpu.region"() ({
      %run_scoped3A = tpu.sem_alloc : memref<!tpu.dma_semaphore, #tpu.memory_space<semaphore_mem>>
      %dma_start3A_31 = arith.constant 0 : i32
      %dma_start3A_32 = tpu.memref_slice %arg4[%mul3A_8, %dma_start3A_31] : memref<1280x128xi32, #tpu.memory_space<hbm>> -> memref<40x128xi32, #tpu.memory_space<hbm>>
      %dma_start3A_33 = arith.constant 0 : i32
      %dma_start3A_34 = tpu.memref_slice %arg4[%mul3A_8, %dma_start3A_33] : memref<1280x128xi32, #tpu.memory_space<hbm>> -> memref<40x128xi32, #tpu.memory_space<hbm>>
      tpu.enqueue_dma source(%dma_start3A_34 : memref<40x128xi32, #tpu.memory_space<hbm>>) target(%arg8 : memref<40x128xi32, #tpu.memory_space<vmem>>) target_semaphore(%run_scoped3A : memref<!tpu.dma_semaphore, #tpu.memory_space<semaphore_mem>>)
      %dma_wait3A_35 = arith.constant 0 : i32
      %dma_wait3A_36 = tpu.memref_slice %arg4[%mul3A_8, %dma_wait3A_35] : memref<1280x128xi32, #tpu.memory_space<hbm>> -> memref<40x128xi32, #tpu.memory_space<hbm>>
      %dma_wait3A_37 = arith.constant 0 : i32
      %dma_wait3A_38 = tpu.memref_slice %arg4[%mul3A_8, %dma_wait3A_37] : memref<1280x128xi32, #tpu.memory_space<hbm>> -> memref<40x128xi32, #tpu.memory_space<hbm>>
      tpu.wait_dma2 semaphore(%run_scoped3A : memref<!tpu.dma_semaphore, #tpu.memory_space<semaphore_mem>>) src(%dma_wait3A_38 : memref<40x128xi32, #tpu.memory_space<hbm>>) dst(%arg8 : memref<40x128xi32, #tpu.memory_space<vmem>>)
      tpu.yield
    }) : () -> ()
    %barrier3A = arith.constant 0 : index
    tpu.barrier barrier_id(%barrier3A)
    %dma_start3A = arith.constant 0 : i32
    %dma_start3A_9 = arith.constant 0 : i32
    %dma_start3A_10 = tpu.memref_slice %arg7[%dma_start3A, %dma_start3A_9] : memref<40x128xi32, #tpu.memory_space<vmem>> -> memref<1x128xi32, #tpu.memory_space<vmem>>
    %dma_start3A_11 = tpu.memref_squeeze %dma_start3A_10 : memref<1x128xi32, #tpu.memory_space<vmem>> -> memref<128xi32, #tpu.memory_space<vmem>>
    %dma_start3A_12 = arith.constant 0 : i32
    %dma_start3A_13 = arith.constant 0 : i32
    %dma_start3A_14 = tpu.memref_slice %arg2[%dma_start3A_12, %dma_start3A_13] : memref<10000x16xf32, #tpu.memory_space<hbm>> -> memref<10000x16xf32, #tpu.memory_space<hbm>>
    tpu.enqueue_indirect_dma source(%dma_start3A_14 : memref<10000x16xf32, #tpu.memory_space<hbm>>) target(%arg9 : memref<128x16xf32, #tpu.memory_space<vmem>>) offsets(%dma_start3A_11 : memref<128xi32, #tpu.memory_space<vmem>>) semaphore(%arg13 : memref<!tpu.dma_semaphore, #tpu.memory_space<semaphore_mem>>)
    %scan3A = arith.constant 0 : i32
    %scan3A_15 = arith.constant 0 : i32
    %scan3A_16 = arith.constant 20 : i32
    %scan3A_17 = arith.addi %scan3A_15, %scan3A_16 : i32
    %scan3A_18 = arith.constant 1 : i32
    scf.for %scan3A_31 = %scan3A_15 to %scan3A_17 step %scan3A_18  : i32 {
      %mul3A_32 = arith.constant 2 : i32
      %mul3A_33 = arith.muli %mul3A_32, %scan3A_31 : i32
      %add3A_34 = arith.constant 1 : i32
      %add3A_35 = arith.addi %mul3A_33, %add3A_34 : i32
      %dma_start3A_36 = arith.constant 0 : i32
      %dma_start3A_37 = tpu.memref_slice %arg7[%add3A_35, %dma_start3A_36] : memref<40x128xi32, #tpu.memory_space<vmem>> -> memref<1x128xi32, #tpu.memory_space<vmem>>
      %dma_start3A_38 = tpu.memref_squeeze %dma_start3A_37 : memref<1x128xi32, #tpu.memory_space<vmem>> -> memref<128xi32, #tpu.memory_space<vmem>>
      %dma_start3A_39 = arith.constant 0 : i32
      %dma_start3A_40 = arith.constant 0 : i32
      %dma_start3A_41 = tpu.memref_slice %arg2[%dma_start3A_39, %dma_start3A_40] : memref<10000x16xf32, #tpu.memory_space<hbm>> -> memref<10000x16xf32, #tpu.memory_space<hbm>>
      tpu.enqueue_indirect_dma source(%dma_start3A_41 : memref<10000x16xf32, #tpu.memory_space<hbm>>) target(%arg10 : memref<128x16xf32, #tpu.memory_space<vmem>>) offsets(%dma_start3A_38 : memref<128xi32, #tpu.memory_space<vmem>>) semaphore(%arg14 : memref<!tpu.dma_semaphore, #tpu.memory_space<semaphore_mem>>)
      %dma_wait3A_42 = arith.constant 0 : i32
      %dma_wait3A_43 = tpu.memref_slice %arg7[%mul3A_33, %dma_wait3A_42] : memref<40x128xi32, #tpu.memory_space<vmem>> -> memref<1x128xi32, #tpu.memory_space<vmem>>
      %dma_wait3A_44 = tpu.memref_squeeze %dma_wait3A_43 : memref<1x128xi32, #tpu.memory_space<vmem>> -> memref<128xi32, #tpu.memory_space<vmem>>
      %dma_wait3A_45 = arith.constant 0 : i32
      %dma_wait3A_46 = arith.constant 0 : i32
      %dma_wait3A_47 = tpu.memref_slice %arg2[%dma_wait3A_45, %dma_wait3A_46] : memref<10000x16xf32, #tpu.memory_space<hbm>> -> memref<10000x16xf32, #tpu.memory_space<hbm>>
      tpu.wait_indirect_dma semaphore(%arg13 : memref<!tpu.dma_semaphore, #tpu.memory_space<semaphore_mem>>) src(%dma_wait3A_47 : memref<10000x16xf32, #tpu.memory_space<hbm>>) dst(%arg9 : memref<128x16xf32, #tpu.memory_space<vmem>>)
      "tpu.region"() ({
        %run_scoped3A = tpu.sem_alloc : memref<!tpu.dma_semaphore, #tpu.memory_space<semaphore_mem>>
        %dma_start3A_65 = arith.constant 0 : i32
        %dma_start3A_66 = tpu.memref_slice %arg8[%mul3A_33, %dma_start3A_65] : memref<40x128xi32, #tpu.memory_space<vmem>> -> memref<1x128xi32, #tpu.memory_space<vmem>>
        %dma_start3A_67 = tpu.memref_squeeze %dma_start3A_66 : memref<1x128xi32, #tpu.memory_space<vmem>> -> memref<128xi32, #tpu.memory_space<vmem>>
        %dma_start3A_68 = arith.constant 0 : i32
        %dma_start3A_69 = arith.constant 0 : i32
        %dma_start3A_70 = tpu.memref_slice %arg12[%dma_start3A_68, %dma_start3A_69] : memref<10112x16xf32, #tpu.memory_space<vmem_shared>> -> memref<10112x16xf32, #tpu.memory_space<vmem_shared>>
        tpu.enqueue_indirect_dma source(%arg9 : memref<128x16xf32, #tpu.memory_space<vmem>>) target(%dma_start3A_70 : memref<10112x16xf32, #tpu.memory_space<vmem_shared>>) offsets(%dma_start3A_67 : memref<128xi32, #tpu.memory_space<vmem>>) semaphore(%run_scoped3A : memref<!tpu.dma_semaphore, #tpu.memory_space<semaphore_mem>>) {add = true}
        %dma_wait3A_71 = arith.constant 0 : i32
        %dma_wait3A_72 = tpu.memref_slice %arg8[%mul3A_33, %dma_wait3A_71] : memref<40x128xi32, #tpu.memory_space<vmem>> -> memref<1x128xi32, #tpu.memory_space<vmem>>
        %dma_wait3A_73 = tpu.memref_squeeze %dma_wait3A_72 : memref<1x128xi32, #tpu.memory_space<vmem>> -> memref<128xi32, #tpu.memory_space<vmem>>
        %dma_wait3A_74 = arith.constant 0 : i32
        %dma_wait3A_75 = arith.constant 0 : i32
        %dma_wait3A_76 = tpu.memref_slice %arg12[%dma_wait3A_74, %dma_wait3A_75] : memref<10112x16xf32, #tpu.memory_space<vmem_shared>> -> memref<10112x16xf32, #tpu.memory_space<vmem_shared>>
        tpu.wait_indirect_dma semaphore(%run_scoped3A : memref<!tpu.dma_semaphore, #tpu.memory_space<semaphore_mem>>) src(%arg9 : memref<128x16xf32, #tpu.memory_space<vmem>>) dst(%dma_wait3A_76 : memref<10112x16xf32, #tpu.memory_space<vmem_shared>>)
        tpu.yield
      }) : () -> ()
      %add3A_48 = arith.constant 2 : i32
      %add3A_49 = arith.addi %mul3A_33, %add3A_48 : i32
      %min3A = arith.constant 39 : i32
      %min3A_50 = arith.minsi %add3A_49, %min3A : i32
      %dma_start3A_51 = arith.constant 0 : i32
      %dma_start3A_52 = tpu.memref_slice %arg7[%min3A_50, %dma_start3A_51] : memref<40x128xi32, #tpu.memory_space<vmem>> -> memref<1x128xi32, #tpu.memory_space<vmem>>
      %dma_start3A_53 = tpu.memref_squeeze %dma_start3A_52 : memref<1x128xi32, #tpu.memory_space<vmem>> -> memref<128xi32, #tpu.memory_space<vmem>>
      %dma_start3A_54 = arith.constant 0 : i32
      %dma_start3A_55 = arith.constant 0 : i32
      %dma_start3A_56 = tpu.memref_slice %arg2[%dma_start3A_54, %dma_start3A_55] : memref<10000x16xf32, #tpu.memory_space<hbm>> -> memref<10000x16xf32, #tpu.memory_space<hbm>>
      tpu.enqueue_indirect_dma source(%dma_start3A_56 : memref<10000x16xf32, #tpu.memory_space<hbm>>) target(%arg9 : memref<128x16xf32, #tpu.memory_space<vmem>>) offsets(%dma_start3A_53 : memref<128xi32, #tpu.memory_space<vmem>>) semaphore(%arg13 : memref<!tpu.dma_semaphore, #tpu.memory_space<semaphore_mem>>)
      %dma_wait3A_57 = arith.constant 0 : i32
      %dma_wait3A_58 = tpu.memref_slice %arg7[%add3A_35, %dma_wait3A_57] : memref<40x128xi32, #tpu.memory_space<vmem>> -> memref<1x128xi32, #tpu.memory_space<vmem>>
      %dma_wait3A_59 = tpu.memref_squeeze %dma_wait3A_58 : memref<1x128xi32, #tpu.memory_space<vmem>> -> memref<128xi32, #tpu.memory_space<vmem>>
      %dma_wait3A_60 = arith.constant 0 : i32
      %dma_wait3A_61 = arith.constant 0 : i32
      %dma_wait3A_62 = tpu.memref_slice %arg2[%dma_wait3A_60, %dma_wait3A_61] : memref<10000x16xf32, #tpu.memory_space<hbm>> -> memref<10000x16xf32, #tpu.memory_space<hbm>>
      tpu.wait_indirect_dma semaphore(%arg14 : memref<!tpu.dma_semaphore, #tpu.memory_space<semaphore_mem>>) src(%dma_wait3A_62 : memref<10000x16xf32, #tpu.memory_space<hbm>>) dst(%arg10 : memref<128x16xf32, #tpu.memory_space<vmem>>)
      %add3A_63 = arith.constant 1 : i32
      %add3A_64 = arith.addi %mul3A_33, %add3A_63 : i32
      "tpu.region"() ({
        %run_scoped3A = tpu.sem_alloc : memref<!tpu.dma_semaphore, #tpu.memory_space<semaphore_mem>>
        %dma_start3A_65 = arith.constant 0 : i32
        %dma_start3A_66 = tpu.memref_slice %arg8[%add3A_64, %dma_start3A_65] : memref<40x128xi32, #tpu.memory_space<vmem>> -> memref<1x128xi32, #tpu.memory_space<vmem>>
        %dma_start3A_67 = tpu.memref_squeeze %dma_start3A_66 : memref<1x128xi32, #tpu.memory_space<vmem>> -> memref<128xi32, #tpu.memory_space<vmem>>
        %dma_start3A_68 = arith.constant 0 : i32
        %dma_start3A_69 = arith.constant 0 : i32
        %dma_start3A_70 = tpu.memref_slice %arg12[%dma_start3A_68, %dma_start3A_69] : memref<10112x16xf32, #tpu.memory_space<vmem_shared>> -> memref<10112x16xf32, #tpu.memory_space<vmem_shared>>
        tpu.enqueue_indirect_dma source(%arg10 : memref<128x16xf32, #tpu.memory_space<vmem>>) target(%dma_start3A_70 : memref<10112x16xf32, #tpu.memory_space<vmem_shared>>) offsets(%dma_start3A_67 : memref<128xi32, #tpu.memory_space<vmem>>) semaphore(%run_scoped3A : memref<!tpu.dma_semaphore, #tpu.memory_space<semaphore_mem>>) {add = true}
        %dma_wait3A_71 = arith.constant 0 : i32
        %dma_wait3A_72 = tpu.memref_slice %arg8[%add3A_64, %dma_wait3A_71] : memref<40x128xi32, #tpu.memory_space<vmem>> -> memref<1x128xi32, #tpu.memory_space<vmem>>
        %dma_wait3A_73 = tpu.memref_squeeze %dma_wait3A_72 : memref<1x128xi32, #tpu.memory_space<vmem>> -> memref<128xi32, #tpu.memory_space<vmem>>
        %dma_wait3A_74 = arith.constant 0 : i32
        %dma_wait3A_75 = arith.constant 0 : i32
        %dma_wait3A_76 = tpu.memref_slice %arg12[%dma_wait3A_74, %dma_wait3A_75] : memref<10112x16xf32, #tpu.memory_space<vmem_shared>> -> memref<10112x16xf32, #tpu.memory_space<vmem_shared>>
        tpu.wait_indirect_dma semaphore(%run_scoped3A : memref<!tpu.dma_semaphore, #tpu.memory_space<semaphore_mem>>) src(%arg10 : memref<128x16xf32, #tpu.memory_space<vmem>>) dst(%dma_wait3A_76 : memref<10112x16xf32, #tpu.memory_space<vmem_shared>>)
        tpu.yield
      }) : () -> ()
    }
    %scan3A_19 = arith.constant 20 : i32
    %dma_wait3A = arith.constant 39 : i32
    %dma_wait3A_20 = arith.constant 0 : i32
    %dma_wait3A_21 = tpu.memref_slice %arg7[%dma_wait3A, %dma_wait3A_20] : memref<40x128xi32, #tpu.memory_space<vmem>> -> memref<1x128xi32, #tpu.memory_space<vmem>>
    %dma_wait3A_22 = tpu.memref_squeeze %dma_wait3A_21 : memref<1x128xi32, #tpu.memory_space<vmem>> -> memref<128xi32, #tpu.memory_space<vmem>>
    %dma_wait3A_23 = arith.constant 0 : i32
    %dma_wait3A_24 = arith.constant 0 : i32
    %dma_wait3A_25 = tpu.memref_slice %arg2[%dma_wait3A_23, %dma_wait3A_24] : memref<10000x16xf32, #tpu.memory_space<hbm>> -> memref<10000x16xf32, #tpu.memory_space<hbm>>
    tpu.wait_indirect_dma semaphore(%arg13 : memref<!tpu.dma_semaphore, #tpu.memory_space<semaphore_mem>>) src(%dma_wait3A_25 : memref<10000x16xf32, #tpu.memory_space<hbm>>) dst(%arg9 : memref<128x16xf32, #tpu.memory_space<vmem>>)
    %barrier3A_26 = arith.constant 0 : index
    tpu.barrier barrier_id(%barrier3A_26)
    %mul3A_27 = arith.constant 632 : i32
    %mul3A_28 = arith.muli %arg1, %mul3A_27 : i32
    "tpu.region"() ({
      %run_scoped3A = tpu.sem_alloc : memref<!tpu.dma_semaphore, #tpu.memory_space<semaphore_mem>>
      %dma_start3A_31 = arith.constant 0 : i32
      %dma_start3A_32 = tpu.memref_slice %arg12[%mul3A_28, %dma_start3A_31] : memref<10112x16xf32, #tpu.memory_space<vmem_shared>> -> memref<632x16xf32, #tpu.memory_space<vmem_shared>>
      %dma_start3A_33 = arith.constant 0 : i32
      %dma_start3A_34 = tpu.memref_slice %arg12[%mul3A_28, %dma_start3A_33] : memref<10112x16xf32, #tpu.memory_space<vmem_shared>> -> memref<632x16xf32, #tpu.memory_space<vmem_shared>>
      tpu.enqueue_dma source(%dma_start3A_34 : memref<632x16xf32, #tpu.memory_space<vmem_shared>>) target(%arg11 : memref<632x16xf32, #tpu.memory_space<vmem>>) target_semaphore(%run_scoped3A : memref<!tpu.dma_semaphore, #tpu.memory_space<semaphore_mem>>)
      %dma_wait3A_35 = arith.constant 0 : i32
      %dma_wait3A_36 = tpu.memref_slice %arg12[%mul3A_28, %dma_wait3A_35] : memref<10112x16xf32, #tpu.memory_space<vmem_shared>> -> memref<632x16xf32, #tpu.memory_space<vmem_shared>>
      %dma_wait3A_37 = arith.constant 0 : i32
      %dma_wait3A_38 = tpu.memref_slice %arg12[%mul3A_28, %dma_wait3A_37] : memref<10112x16xf32, #tpu.memory_space<vmem_shared>> -> memref<632x16xf32, #tpu.memory_space<vmem_shared>>
      tpu.wait_dma2 semaphore(%run_scoped3A : memref<!tpu.dma_semaphore, #tpu.memory_space<semaphore_mem>>) src(%dma_wait3A_38 : memref<632x16xf32, #tpu.memory_space<vmem_shared>>) dst(%arg11 : memref<632x16xf32, #tpu.memory_space<vmem>>)
      tpu.yield
    }) : () -> ()
    %mul3A_29 = arith.constant 632 : i32
    %mul3A_30 = arith.muli %arg1, %mul3A_29 : i32
    "tpu.region"() ({
      %run_scoped3A = tpu.sem_alloc : memref<!tpu.dma_semaphore, #tpu.memory_space<semaphore_mem>>
      %dma_start3A_31 = arith.constant 0 : i32
      %dma_start3A_32 = tpu.memref_slice %arg6[%arg0, %mul3A_30, %dma_start3A_31] : memref<2x10112x16xf32, #tpu.memory_space<hbm>> -> memref<1x632x16xf32, #tpu.memory_space<hbm>>
      %dma_start3A_33 = tpu.memref_squeeze %dma_start3A_32 : memref<1x632x16xf32, #tpu.memory_space<hbm>> -> memref<632x16xf32, #tpu.memory_space<hbm>>
      %dma_start3A_34 = arith.constant 0 : i32
      %dma_start3A_35 = tpu.memref_slice %arg6[%arg0, %mul3A_30, %dma_start3A_34] : memref<2x10112x16xf32, #tpu.memory_space<hbm>> -> memref<1x632x16xf32, #tpu.memory_space<hbm>>
      %dma_start3A_36 = tpu.memref_squeeze %dma_start3A_35 : memref<1x632x16xf32, #tpu.memory_space<hbm>> -> memref<632x16xf32, #tpu.memory_space<hbm>>
      tpu.enqueue_dma source(%arg11 : memref<632x16xf32, #tpu.memory_space<vmem>>) target(%dma_start3A_36 : memref<632x16xf32, #tpu.memory_space<hbm>>) target_semaphore(%run_scoped3A : memref<!tpu.dma_semaphore, #tpu.memory_space<semaphore_mem>>)
      %dma_wait3A_37 = arith.constant 0 : i32
      %dma_wait3A_38 = tpu.memref_slice %arg6[%arg0, %mul3A_30, %dma_wait3A_37] : memref<2x10112x16xf32, #tpu.memory_space<hbm>> -> memref<1x632x16xf32, #tpu.memory_space<hbm>>
      %dma_wait3A_39 = tpu.memref_squeeze %dma_wait3A_38 : memref<1x632x16xf32, #tpu.memory_space<hbm>> -> memref<632x16xf32, #tpu.memory_space<hbm>>
      %dma_wait3A_40 = arith.constant 0 : i32
      %dma_wait3A_41 = tpu.memref_slice %arg6[%arg0, %mul3A_30, %dma_wait3A_40] : memref<2x10112x16xf32, #tpu.memory_space<hbm>> -> memref<1x632x16xf32, #tpu.memory_space<hbm>>
      %dma_wait3A_42 = tpu.memref_squeeze %dma_wait3A_41 : memref<1x632x16xf32, #tpu.memory_space<hbm>> -> memref<632x16xf32, #tpu.memory_space<hbm>>
      tpu.wait_dma2 semaphore(%run_scoped3A : memref<!tpu.dma_semaphore, #tpu.memory_space<semaphore_mem>>) src(%arg11 : memref<632x16xf32, #tpu.memory_space<vmem>>) dst(%dma_wait3A_42 : memref<632x16xf32, #tpu.memory_space<hbm>>)
      tpu.yield
    }) : () -> ()
    return
  }
}

module attributes {stable_mosaic.version = 14 : i64} {
  func.func @_tc1_body(%arg0: memref<10000x256xf32, #tpu.memory_space<vmem>>, %arg1: memref<256x16xf32, #tpu.memory_space<vmem>>, %arg2: memref<10000x2xf32, #tpu.memory_space<vmem>>, %arg3: memref<10000x16xf32, #tpu.memory_space<vmem>>, %arg4: memref<10000x1xf32, #tpu.memory_space<vmem>>) attributes {dimension_semantics = [], scalar_prefetch = 0 : i64, scratch_operands = 0 : i64, tpu.core_type = #tpu.core_type<tc>} {
    %get3A = arith.constant 0 : index
    %get3A_0 = arith.constant 0 : index
    %get3A_1 = vector.load %arg2[%get3A, %get3A_0] : memref<10000x2xf32, #tpu.memory_space<vmem>>, vector<10000x1xf32>
    %get3A_2 = arith.constant 0 : index
    %get3A_3 = arith.constant 1 : index
    %get3A_4 = vector.load %arg2[%get3A_2, %get3A_3] : memref<10000x2xf32, #tpu.memory_space<vmem>>, vector<10000x1xf32>
    %add3A = arith.addf %get3A_1, %get3A_4 : vector<10000x1xf32>
    %add3A_5 = arith.constant 1.000000e+00 : f32
    %add3A_6 = vector.broadcast %add3A_5 : f32 to vector<10000x1xf32>
    %add3A_7 = arith.addf %add3A, %add3A_6 : vector<10000x1xf32>
    %rsqrt3A = math.rsqrt %add3A_7 : vector<10000x1xf32>
    %get3A_8 = arith.constant 0 : index
    %get3A_9 = arith.constant 0 : index
    %get3A_10 = vector.load %arg0[%get3A_8, %get3A_9] : memref<10000x256xf32, #tpu.memory_space<vmem>>, vector<10000x256xf32>
    %get3A_11 = arith.constant 0 : index
    %get3A_12 = arith.constant 0 : index
    %get3A_13 = vector.load %arg1[%get3A_11, %get3A_12] : memref<256x16xf32, #tpu.memory_space<vmem>>, vector<256x16xf32>
    %dot_general3A = arith.constant dense<0.000000e+00> : vector<10000x16xf32>
    %dot_general3A_14 = tpu.matmul %get3A_10, %get3A_13, %dot_general3A {dimension_numbers = #tpu.dot_dimension_numbers<[1], [0], [0], [1], [0, 0, 1, 1], [], []>, transpose_lhs_hint = false} : vector<10000x256xf32>, vector<256x16xf32>, vector<10000x16xf32> -> vector<10000x16xf32>
    %mul3A = vector.broadcast %rsqrt3A : vector<10000x1xf32> to vector<10000x16xf32>
    %mul3A_15 = arith.mulf %mul3A, %dot_general3A_14 : vector<10000x16xf32>
    %swap3A = arith.constant 0 : index
    %swap3A_16 = arith.constant 0 : index
    %swap3A_17 = vector.load %arg3[%swap3A, %swap3A_16] : memref<10000x16xf32, #tpu.memory_space<vmem>>, vector<10000x16xf32>
    tpu.vector_store %arg3[%swap3A, %swap3A_16], %mul3A_15 {strides = array<i32>} : memref<10000x16xf32, #tpu.memory_space<vmem>>, vector<10000x16xf32>,
    %swap3A_18 = arith.constant 0 : index
    %swap3A_19 = arith.constant 0 : index
    %swap3A_20 = vector.load %arg4[%swap3A_18, %swap3A_19] : memref<10000x1xf32, #tpu.memory_space<vmem>>, vector<10000x1xf32>
    tpu.vector_store %arg4[%swap3A_18, %swap3A_19], %rsqrt3A {strides = array<i32>} : memref<10000x1xf32, #tpu.memory_space<vmem>>, vector<10000x1xf32>,
    return
  }
}

module attributes {stable_mosaic.version = 14 : i64} {
  func.func @_tc2_body(%arg0: memref<10000x16xf32, #tpu.memory_space<vmem>>, %arg1: memref<10000x16xf32, #tpu.memory_space<vmem>>, %arg2: memref<10000x16xf32, #tpu.memory_space<vmem>>, %arg3: memref<10000x1xf32, #tpu.memory_space<vmem>>, %arg4: memref<1x16xf32, #tpu.memory_space<vmem>>, %arg5: memref<16x32xf32, #tpu.memory_space<vmem>>, %arg6: memref<10000x32xf32, #tpu.memory_space<vmem>>) attributes {dimension_semantics = [], scalar_prefetch = 0 : i64, scratch_operands = 0 : i64, tpu.core_type = #tpu.core_type<tc>} {
    %get3A = arith.constant 0 : index
    %get3A_0 = arith.constant 0 : index
    %get3A_1 = vector.load %arg3[%get3A, %get3A_0] : memref<10000x1xf32, #tpu.memory_space<vmem>>, vector<10000x1xf32>
    %get3A_2 = arith.constant 0 : index
    %get3A_3 = arith.constant 0 : index
    %get3A_4 = vector.load %arg0[%get3A_2, %get3A_3] : memref<10000x16xf32, #tpu.memory_space<vmem>>, vector<10000x16xf32>
    %get3A_5 = arith.constant 0 : index
    %get3A_6 = arith.constant 0 : index
    %get3A_7 = vector.load %arg1[%get3A_5, %get3A_6] : memref<10000x16xf32, #tpu.memory_space<vmem>>, vector<10000x16xf32>
    %add3A = arith.addf %get3A_4, %get3A_7 : vector<10000x16xf32>
    %get3A_8 = arith.constant 0 : index
    %get3A_9 = arith.constant 0 : index
    %get3A_10 = vector.load %arg2[%get3A_8, %get3A_9] : memref<10000x16xf32, #tpu.memory_space<vmem>>, vector<10000x16xf32>
    %add3A_11 = arith.addf %add3A, %get3A_10 : vector<10000x16xf32>
    %mul3A = vector.broadcast %get3A_1 : vector<10000x1xf32> to vector<10000x16xf32>
    %mul3A_12 = arith.mulf %mul3A, %add3A_11 : vector<10000x16xf32>
    %get3A_13 = arith.constant 0 : index
    %get3A_14 = arith.constant 0 : index
    %get3A_15 = vector.load %arg4[%get3A_13, %get3A_14] : memref<1x16xf32, #tpu.memory_space<vmem>>, vector<1x16xf32>
    %add3A_16 = vector.broadcast %get3A_15 : vector<1x16xf32> to vector<10000x16xf32>
    %add3A_17 = arith.addf %mul3A_12, %add3A_16 : vector<10000x16xf32>
    %max3A = arith.constant 0.000000e+00 : f32
    %max3A_18 = vector.broadcast %max3A : f32 to vector<10000x16xf32>
    %max3A_19 = arith.maximumf %add3A_17, %max3A_18 : vector<10000x16xf32>
    %get3A_20 = arith.constant 0 : index
    %get3A_21 = arith.constant 0 : index
    %get3A_22 = vector.load %arg5[%get3A_20, %get3A_21] : memref<16x32xf32, #tpu.memory_space<vmem>>, vector<16x32xf32>
    %dot_general3A = arith.constant dense<0.000000e+00> : vector<10000x32xf32>
    %dot_general3A_23 = tpu.matmul %max3A_19, %get3A_22, %dot_general3A {dimension_numbers = #tpu.dot_dimension_numbers<[1], [0], [0], [1], [0, 0, 1, 1], [], []>, transpose_lhs_hint = false} : vector<10000x16xf32>, vector<16x32xf32>, vector<10000x32xf32> -> vector<10000x32xf32>
    %mul3A_24 = vector.broadcast %get3A_1 : vector<10000x1xf32> to vector<10000x32xf32>
    %mul3A_25 = arith.mulf %mul3A_24, %dot_general3A_23 : vector<10000x32xf32>
    %swap3A = arith.constant 0 : index
    %swap3A_26 = arith.constant 0 : index
    %swap3A_27 = vector.load %arg6[%swap3A, %swap3A_26] : memref<10000x32xf32, #tpu.memory_space<vmem>>, vector<10000x32xf32>
    tpu.vector_store %arg6[%swap3A, %swap3A_26], %mul3A_25 {strides = array<i32>} : memref<10000x32xf32, #tpu.memory_space<vmem>>, vector<10000x32xf32>,
    return
  }
}

module attributes {stable_mosaic.version = 14 : i64} {
  func.func @_tc3_body(%arg0: memref<10000x32xf32, #tpu.memory_space<vmem>>, %arg1: memref<10000x32xf32, #tpu.memory_space<vmem>>, %arg2: memref<10000x32xf32, #tpu.memory_space<vmem>>, %arg3: memref<10000x1xf32, #tpu.memory_space<vmem>>, %arg4: memref<1x32xf32, #tpu.memory_space<vmem>>, %arg5: memref<10000x32xf32, #tpu.memory_space<vmem>>) attributes {dimension_semantics = [], scalar_prefetch = 0 : i64, scratch_operands = 0 : i64, tpu.core_type = #tpu.core_type<tc>} {
    %get3A = arith.constant 0 : index
    %get3A_0 = arith.constant 0 : index
    %get3A_1 = vector.load %arg0[%get3A, %get3A_0] : memref<10000x32xf32, #tpu.memory_space<vmem>>, vector<10000x32xf32>
    %get3A_2 = arith.constant 0 : index
    %get3A_3 = arith.constant 0 : index
    %get3A_4 = vector.load %arg1[%get3A_2, %get3A_3] : memref<10000x32xf32, #tpu.memory_space<vmem>>, vector<10000x32xf32>
    %add3A = arith.addf %get3A_1, %get3A_4 : vector<10000x32xf32>
    %get3A_5 = arith.constant 0 : index
    %get3A_6 = arith.constant 0 : index
    %get3A_7 = vector.load %arg2[%get3A_5, %get3A_6] : memref<10000x32xf32, #tpu.memory_space<vmem>>, vector<10000x32xf32>
    %add3A_8 = arith.addf %add3A, %get3A_7 : vector<10000x32xf32>
    %get3A_9 = arith.constant 0 : index
    %get3A_10 = arith.constant 0 : index
    %get3A_11 = vector.load %arg3[%get3A_9, %get3A_10] : memref<10000x1xf32, #tpu.memory_space<vmem>>, vector<10000x1xf32>
    %mul3A = vector.broadcast %get3A_11 : vector<10000x1xf32> to vector<10000x32xf32>
    %mul3A_12 = arith.mulf %mul3A, %add3A_8 : vector<10000x32xf32>
    %get3A_13 = arith.constant 0 : index
    %get3A_14 = arith.constant 0 : index
    %get3A_15 = vector.load %arg4[%get3A_13, %get3A_14] : memref<1x32xf32, #tpu.memory_space<vmem>>, vector<1x32xf32>
    %add3A_16 = vector.broadcast %get3A_15 : vector<1x32xf32> to vector<10000x32xf32>
    %add3A_17 = arith.addf %mul3A_12, %add3A_16 : vector<10000x32xf32>
    %max3A = arith.constant 0.000000e+00 : f32
    %max3A_18 = vector.broadcast %max3A : f32 to vector<10000x32xf32>
    %max3A_19 = arith.maximumf %add3A_17, %max3A_18 : vector<10000x32xf32>
    %swap3A = arith.constant 0 : index
    %swap3A_20 = arith.constant 0 : index
    %swap3A_21 = vector.load %arg5[%swap3A, %swap3A_20] : memref<10000x32xf32, #tpu.memory_space<vmem>>, vector<10000x32xf32>
    tpu.vector_store %arg5[%swap3A, %swap3A_20], %max3A_19 {strides = array<i32>} : memref<10000x32xf32, #tpu.memory_space<vmem>>, vector<10000x32xf32>,
    return
  }
}

module attributes {stable_mosaic.version = 14 : i64} {
  func.func @_gi_body(%arg0: memref<10000x64xf32, #tpu.memory_space<vmem>>, %arg1: memref<64x384xf32, #tpu.memory_space<vmem>>, %arg2: memref<1x384xf32, #tpu.memory_space<vmem>>, %arg3: memref<10000x384xf32, #tpu.memory_space<vmem>>) attributes {dimension_semantics = [], scalar_prefetch = 0 : i64, scratch_operands = 0 : i64, tpu.core_type = #tpu.core_type<tc>} {
    %get3A = arith.constant 0 : index
    %get3A_0 = arith.constant 0 : index
    %get3A_1 = vector.load %arg0[%get3A, %get3A_0] : memref<10000x64xf32, #tpu.memory_space<vmem>>, vector<10000x64xf32>
    %get3A_2 = arith.constant 0 : index
    %get3A_3 = arith.constant 0 : index
    %get3A_4 = vector.load %arg1[%get3A_2, %get3A_3] : memref<64x384xf32, #tpu.memory_space<vmem>>, vector<64x384xf32>
    %dot_general3A = arith.constant dense<0.000000e+00> : vector<10000x384xf32>
    %dot_general3A_5 = tpu.matmul %get3A_1, %get3A_4, %dot_general3A {dimension_numbers = #tpu.dot_dimension_numbers<[1], [0], [0], [1], [0, 0, 1, 1], [], []>, transpose_lhs_hint = false} : vector<10000x64xf32>, vector<64x384xf32>, vector<10000x384xf32> -> vector<10000x384xf32>
    %get3A_6 = arith.constant 0 : index
    %get3A_7 = arith.constant 0 : index
    %get3A_8 = vector.load %arg2[%get3A_6, %get3A_7] : memref<1x384xf32, #tpu.memory_space<vmem>>, vector<1x384xf32>
    %add3A = vector.broadcast %get3A_8 : vector<1x384xf32> to vector<10000x384xf32>
    %add3A_9 = arith.addf %dot_general3A_5, %add3A : vector<10000x384xf32>
    %swap3A = arith.constant 0 : index
    %swap3A_10 = arith.constant 0 : index
    %swap3A_11 = vector.load %arg3[%swap3A, %swap3A_10] : memref<10000x384xf32, #tpu.memory_space<vmem>>, vector<10000x384xf32>
    tpu.vector_store %arg3[%swap3A, %swap3A_10], %add3A_9 {strides = array<i32>} : memref<10000x384xf32, #tpu.memory_space<vmem>>, vector<10000x384xf32>,
    return
  }
}

module attributes {stable_mosaic.version = 14 : i64} {
  func.func @_scan_body(%arg0: memref<10000x384xf32, #tpu.memory_space<vmem>>, %arg1: memref<128x384xf32, #tpu.memory_space<vmem>>, %arg2: memref<1x128xf32, #tpu.memory_space<vmem>>, %arg3: memref<10000x128xf32, #tpu.memory_space<vmem>>) attributes {dimension_semantics = [], scalar_prefetch = 0 : i64, scratch_operands = 0 : i64, tpu.core_type = #tpu.core_type<tc>} {
    %get3A = arith.constant 0 : index
    %get3A_0 = arith.constant 0 : index
    %get3A_1 = vector.load %arg2[%get3A, %get3A_0] : memref<1x128xf32, #tpu.memory_space<vmem>>, vector<1x128xf32>
    %broadcast_in_dim3A = arith.constant 0.000000e+00 : f32
    %broadcast_in_dim3A_2 = vector.broadcast %broadcast_in_dim3A : f32 to vector<1x128xf32>
    %broadcast_in_dim3A_3 = arith.constant 0.000000e+00 : f32
    %broadcast_in_dim3A_4 = vector.broadcast %broadcast_in_dim3A_3 : f32 to vector<128x128xf32>
    %scan3A = arith.constant 0 : i32
    %scan3A_5 = arith.constant 10000 : i32
    %scan3A_6 = arith.addi %scan3A, %scan3A_5 : i32
    %scan3A_7 = arith.constant 4 : i32
    %scan3A_8:2 = scf.for %scan3A_10 = %scan3A to %scan3A_6 step %scan3A_7 iter_args(%scan3A_11 = %broadcast_in_dim3A_2, %scan3A_12 = %broadcast_in_dim3A_4) -> (vector<1x128xf32>, vector<128x128xf32>)  : i32 {
      %get3A_13 = arith.index_cast %scan3A_10 : i32 to index
      %get3A_14 = arith.constant 0 : index
      %get3A_15 = vector.load %arg0[%get3A_13, %get3A_14] : memref<10000x384xf32, #tpu.memory_space<vmem>>, vector<1x384xf32>
      %get3A_16 = arith.constant 0 : index
      %get3A_17 = arith.constant 0 : index
      %get3A_18 = vector.load %arg1[%get3A_16, %get3A_17] : memref<128x384xf32, #tpu.memory_space<vmem>>, vector<128x128xf32>
      %mul3A = arith.mulf %scan3A_12, %get3A_18 : vector<128x128xf32>
      %reduce_sum3A = arith.constant dense<0.000000e+00> : vector<128xf32>
      %reduce_sum3A_19 = vector.multi_reduction <add>, %mul3A, %reduce_sum3A [0] : vector<128x128xf32> to vector<128xf32>
      %broadcast_in_dim3A_20 = vector.shape_cast %reduce_sum3A_19 : vector<128xf32> to vector<1x128xf32>
      %get3A_21 = arith.constant 0 : index
      %get3A_22 = arith.constant 128 : index
      %get3A_23 = vector.load %arg1[%get3A_21, %get3A_22] : memref<128x384xf32, #tpu.memory_space<vmem>>, vector<128x128xf32>
      %mul3A_24 = arith.mulf %scan3A_12, %get3A_23 : vector<128x128xf32>
      %reduce_sum3A_25 = arith.constant dense<0.000000e+00> : vector<128xf32>
      %reduce_sum3A_26 = vector.multi_reduction <add>, %mul3A_24, %reduce_sum3A_25 [0] : vector<128x128xf32> to vector<128xf32>
      %broadcast_in_dim3A_27 = vector.shape_cast %reduce_sum3A_26 : vector<128xf32> to vector<1x128xf32>
      %get3A_28 = arith.constant 0 : index
      %get3A_29 = arith.constant 256 : index
      %get3A_30 = vector.load %arg1[%get3A_28, %get3A_29] : memref<128x384xf32, #tpu.memory_space<vmem>>, vector<128x128xf32>
      %mul3A_31 = arith.mulf %scan3A_12, %get3A_30 : vector<128x128xf32>
      %reduce_sum3A_32 = arith.constant dense<0.000000e+00> : vector<128xf32>
      %reduce_sum3A_33 = vector.multi_reduction <add>, %mul3A_31, %reduce_sum3A_32 [0] : vector<128x128xf32> to vector<128xf32>
      %broadcast_in_dim3A_34 = vector.shape_cast %reduce_sum3A_33 : vector<128xf32> to vector<1x128xf32>
      %add3A = arith.addf %broadcast_in_dim3A_34, %get3A_1 : vector<1x128xf32>
      %slice3A = vector.extract_strided_slice %get3A_15 {offsets = [0, 0], sizes = [1, 128], strides = [1, 1]} : vector<1x384xf32> to vector<1x128xf32>
      %add3A_35 = arith.addf %slice3A, %broadcast_in_dim3A_20 : vector<1x128xf32>
      %tanh3A = math.tanh %add3A_35 : vector<1x128xf32>
      %slice3A_36 = vector.extract_strided_slice %get3A_15 {offsets = [0, 128], sizes = [1, 128], strides = [1, 1]} : vector<1x384xf32> to vector<1x128xf32>
      %add3A_37 = arith.addf %slice3A_36, %broadcast_in_dim3A_27 : vector<1x128xf32>
      %tanh3A_38 = math.tanh %add3A_37 : vector<1x128xf32>
      %slice3A_39 = vector.extract_strided_slice %get3A_15 {offsets = [0, 256], sizes = [1, 128], strides = [1, 1]} : vector<1x384xf32> to vector<1x128xf32>
      %add3A_40 = arith.addf %slice3A_39, %add3A : vector<1x128xf32>
      %mul3A_41 = arith.mulf %tanh3A, %add3A : vector<1x128xf32>
      %add3A_42 = arith.addf %add3A_40, %mul3A_41 : vector<1x128xf32>
      %tanh3A_43 = math.tanh %add3A_42 : vector<1x128xf32>
      %add3A_44 = arith.addf %tanh3A_43, %scan3A_11 : vector<1x128xf32>
      %mul3A_45 = arith.constant 5.000000e-01 : f32
      %mul3A_46 = vector.broadcast %mul3A_45 : f32 to vector<1x128xf32>
      %mul3A_47 = arith.mulf %mul3A_46, %add3A_44 : vector<1x128xf32>
      %sub3A = arith.subf %scan3A_11, %tanh3A_43 : vector<1x128xf32>
      %mul3A_48 = arith.constant 5.000000e-01 : f32
      %mul3A_49 = vector.broadcast %mul3A_48 : f32 to vector<1x128xf32>
      %mul3A_50 = arith.mulf %mul3A_49, %sub3A : vector<1x128xf32>
      %mul3A_51 = arith.mulf %tanh3A_38, %mul3A_50 : vector<1x128xf32>
      %add3A_52 = arith.addf %mul3A_47, %mul3A_51 : vector<1x128xf32>
      %swap3A = arith.index_cast %scan3A_10 : i32 to index
      %swap3A_53 = arith.constant 0 : index
      %swap3A_54 = vector.load %arg3[%swap3A, %swap3A_53] : memref<10000x128xf32, #tpu.memory_space<vmem>>, vector<1x128xf32>
      tpu.vector_store %arg3[%swap3A, %swap3A_53], %add3A_52 {strides = array<i32>} : memref<10000x128xf32, #tpu.memory_space<vmem>>, vector<1x128xf32>,
      %broadcast_in_dim3A_55 = vector.shape_cast %add3A_52 : vector<1x128xf32> to vector<1x128xf32>
      %broadcast_in_dim3A_56 = vector.broadcast %broadcast_in_dim3A_55 : vector<1x128xf32> to vector<128x128xf32>
      %transpose3A = tpu.transpose %broadcast_in_dim3A_56, [1, 0] : vector<128x128xf32> -> vector<128x128xf32>
      %scan3A_57 = arith.constant 1 : i32
      %scan3A_58 = arith.addi %scan3A_10, %scan3A_57 : i32
      %get3A_59 = arith.index_cast %scan3A_58 : i32 to index
      %get3A_60 = arith.constant 0 : index
      %get3A_61 = vector.load %arg0[%get3A_59, %get3A_60] : memref<10000x384xf32, #tpu.memory_space<vmem>>, vector<1x384xf32>
      %get3A_62 = arith.constant 0 : index
      %get3A_63 = arith.constant 0 : index
      %get3A_64 = vector.load %arg1[%get3A_62, %get3A_63] : memref<128x384xf32, #tpu.memory_space<vmem>>, vector<128x128xf32>
      %mul3A_65 = arith.mulf %transpose3A, %get3A_64 : vector<128x128xf32>
      %reduce_sum3A_66 = arith.constant dense<0.000000e+00> : vector<128xf32>
      %reduce_sum3A_67 = vector.multi_reduction <add>, %mul3A_65, %reduce_sum3A_66 [0] : vector<128x128xf32> to vector<128xf32>
      %broadcast_in_dim3A_68 = vector.shape_cast %reduce_sum3A_67 : vector<128xf32> to vector<1x128xf32>
      %get3A_69 = arith.constant 0 : index
      %get3A_70 = arith.constant 128 : index
      %get3A_71 = vector.load %arg1[%get3A_69, %get3A_70] : memref<128x384xf32, #tpu.memory_space<vmem>>, vector<128x128xf32>
      %mul3A_72 = arith.mulf %transpose3A, %get3A_71 : vector<128x128xf32>
      %reduce_sum3A_73 = arith.constant dense<0.000000e+00> : vector<128xf32>
      %reduce_sum3A_74 = vector.multi_reduction <add>, %mul3A_72, %reduce_sum3A_73 [0] : vector<128x128xf32> to vector<128xf32>
      %broadcast_in_dim3A_75 = vector.shape_cast %reduce_sum3A_74 : vector<128xf32> to vector<1x128xf32>
      %get3A_76 = arith.constant 0 : index
      %get3A_77 = arith.constant 256 : index
      %get3A_78 = vector.load %arg1[%get3A_76, %get3A_77] : memref<128x384xf32, #tpu.memory_space<vmem>>, vector<128x128xf32>
      %mul3A_79 = arith.mulf %transpose3A, %get3A_78 : vector<128x128xf32>
      %reduce_sum3A_80 = arith.constant dense<0.000000e+00> : vector<128xf32>
      %reduce_sum3A_81 = vector.multi_reduction <add>, %mul3A_79, %reduce_sum3A_80 [0] : vector<128x128xf32> to vector<128xf32>
      %broadcast_in_dim3A_82 = vector.shape_cast %reduce_sum3A_81 : vector<128xf32> to vector<1x128xf32>
      %add3A_83 = arith.addf %broadcast_in_dim3A_82, %get3A_1 : vector<1x128xf32>
      %slice3A_84 = vector.extract_strided_slice %get3A_61 {offsets = [0, 0], sizes = [1, 128], strides = [1, 1]} : vector<1x384xf32> to vector<1x128xf32>
      %add3A_85 = arith.addf %slice3A_84, %broadcast_in_dim3A_68 : vector<1x128xf32>
      %tanh3A_86 = math.tanh %add3A_85 : vector<1x128xf32>
      %slice3A_87 = vector.extract_strided_slice %get3A_61 {offsets = [0, 128], sizes = [1, 128], strides = [1, 1]} : vector<1x384xf32> to vector<1x128xf32>
      %add3A_88 = arith.addf %slice3A_87, %broadcast_in_dim3A_75 : vector<1x128xf32>
      %tanh3A_89 = math.tanh %add3A_88 : vector<1x128xf32>
      %slice3A_90 = vector.extract_strided_slice %get3A_61 {offsets = [0, 256], sizes = [1, 128], strides = [1, 1]} : vector<1x384xf32> to vector<1x128xf32>
      %add3A_91 = arith.addf %slice3A_90, %add3A_83 : vector<1x128xf32>
      %mul3A_92 = arith.mulf %tanh3A_86, %add3A_83 : vector<1x128xf32>
      %add3A_93 = arith.addf %add3A_91, %mul3A_92 : vector<1x128xf32>
      %tanh3A_94 = math.tanh %add3A_93 : vector<1x128xf32>
      %add3A_95 = arith.addf %tanh3A_94, %add3A_52 : vector<1x128xf32>
      %mul3A_96 = arith.constant 5.000000e-01 : f32
      %mul3A_97 = vector.broadcast %mul3A_96 : f32 to vector<1x128xf32>
      %mul3A_98 = arith.mulf %mul3A_97, %add3A_95 : vector<1x128xf32>
      %sub3A_99 = arith.subf %add3A_52, %tanh3A_94 : vector<1x128xf32>
      %mul3A_100 = arith.constant 5.000000e-01 : f32
      %mul3A_101 = vector.broadcast %mul3A_100 : f32 to vector<1x128xf32>
      %mul3A_102 = arith.mulf %mul3A_101, %sub3A_99 : vector<1x128xf32>
      %mul3A_103 = arith.mulf %tanh3A_89, %mul3A_102 : vector<1x128xf32>
      %add3A_104 = arith.addf %mul3A_98, %mul3A_103 : vector<1x128xf32>
      %swap3A_105 = arith.index_cast %scan3A_58 : i32 to index
      %swap3A_106 = arith.constant 0 : index
      %swap3A_107 = vector.load %arg3[%swap3A_105, %swap3A_106] : memref<10000x128xf32, #tpu.memory_space<vmem>>, vector<1x128xf32>
      tpu.vector_store %arg3[%swap3A_105, %swap3A_106], %add3A_104 {strides = array<i32>} : memref<10000x128xf32, #tpu.memory_space<vmem>>, vector<1x128xf32>,
      %broadcast_in_dim3A_108 = vector.shape_cast %add3A_104 : vector<1x128xf32> to vector<1x128xf32>
      %broadcast_in_dim3A_109 = vector.broadcast %broadcast_in_dim3A_108 : vector<1x128xf32> to vector<128x128xf32>
      %transpose3A_110 = tpu.transpose %broadcast_in_dim3A_109, [1, 0] : vector<128x128xf32> -> vector<128x128xf32>
      %scan3A_111 = arith.constant 2 : i32
      %scan3A_112 = arith.addi %scan3A_10, %scan3A_111 : i32
      %get3A_113 = arith.index_cast %scan3A_112 : i32 to index
      %get3A_114 = arith.constant 0 : index
      %get3A_115 = vector.load %arg0[%get3A_113, %get3A_114] : memref<10000x384xf32, #tpu.memory_space<vmem>>, vector<1x384xf32>
      %get3A_116 = arith.constant 0 : index
      %get3A_117 = arith.constant 0 : index
      %get3A_118 = vector.load %arg1[%get3A_116, %get3A_117] : memref<128x384xf32, #tpu.memory_space<vmem>>, vector<128x128xf32>
      %mul3A_119 = arith.mulf %transpose3A_110, %get3A_118 : vector<128x128xf32>
      %reduce_sum3A_120 = arith.constant dense<0.000000e+00> : vector<128xf32>
      %reduce_sum3A_121 = vector.multi_reduction <add>, %mul3A_119, %reduce_sum3A_120 [0] : vector<128x128xf32> to vector<128xf32>
      %broadcast_in_dim3A_122 = vector.shape_cast %reduce_sum3A_121 : vector<128xf32> to vector<1x128xf32>
      %get3A_123 = arith.constant 0 : index
      %get3A_124 = arith.constant 128 : index
      %get3A_125 = vector.load %arg1[%get3A_123, %get3A_124] : memref<128x384xf32, #tpu.memory_space<vmem>>, vector<128x128xf32>
      %mul3A_126 = arith.mulf %transpose3A_110, %get3A_125 : vector<128x128xf32>
      %reduce_sum3A_127 = arith.constant dense<0.000000e+00> : vector<128xf32>
      %reduce_sum3A_128 = vector.multi_reduction <add>, %mul3A_126, %reduce_sum3A_127 [0] : vector<128x128xf32> to vector<128xf32>
      %broadcast_in_dim3A_129 = vector.shape_cast %reduce_sum3A_128 : vector<128xf32> to vector<1x128xf32>
      %get3A_130 = arith.constant 0 : index
      %get3A_131 = arith.constant 256 : index
      %get3A_132 = vector.load %arg1[%get3A_130, %get3A_131] : memref<128x384xf32, #tpu.memory_space<vmem>>, vector<128x128xf32>
      %mul3A_133 = arith.mulf %transpose3A_110, %get3A_132 : vector<128x128xf32>
      %reduce_sum3A_134 = arith.constant dense<0.000000e+00> : vector<128xf32>
      %reduce_sum3A_135 = vector.multi_reduction <add>, %mul3A_133, %reduce_sum3A_134 [0] : vector<128x128xf32> to vector<128xf32>
      %broadcast_in_dim3A_136 = vector.shape_cast %reduce_sum3A_135 : vector<128xf32> to vector<1x128xf32>
      %add3A_137 = arith.addf %broadcast_in_dim3A_136, %get3A_1 : vector<1x128xf32>
      %slice3A_138 = vector.extract_strided_slice %get3A_115 {offsets = [0, 0], sizes = [1, 128], strides = [1, 1]} : vector<1x384xf32> to vector<1x128xf32>
      %add3A_139 = arith.addf %slice3A_138, %broadcast_in_dim3A_122 : vector<1x128xf32>
      %tanh3A_140 = math.tanh %add3A_139 : vector<1x128xf32>
      %slice3A_141 = vector.extract_strided_slice %get3A_115 {offsets = [0, 128], sizes = [1, 128], strides = [1, 1]} : vector<1x384xf32> to vector<1x128xf32>
      %add3A_142 = arith.addf %slice3A_141, %broadcast_in_dim3A_129 : vector<1x128xf32>
      %tanh3A_143 = math.tanh %add3A_142 : vector<1x128xf32>
      %slice3A_144 = vector.extract_strided_slice %get3A_115 {offsets = [0, 256], sizes = [1, 128], strides = [1, 1]} : vector<1x384xf32> to vector<1x128xf32>
      %add3A_145 = arith.addf %slice3A_144, %add3A_137 : vector<1x128xf32>
      %mul3A_146 = arith.mulf %tanh3A_140, %add3A_137 : vector<1x128xf32>
      %add3A_147 = arith.addf %add3A_145, %mul3A_146 : vector<1x128xf32>
      %tanh3A_148 = math.tanh %add3A_147 : vector<1x128xf32>
      %add3A_149 = arith.addf %tanh3A_148, %add3A_104 : vector<1x128xf32>
      %mul3A_150 = arith.constant 5.000000e-01 : f32
      %mul3A_151 = vector.broadcast %mul3A_150 : f32 to vector<1x128xf32>
      %mul3A_152 = arith.mulf %mul3A_151, %add3A_149 : vector<1x128xf32>
      %sub3A_153 = arith.subf %add3A_104, %tanh3A_148 : vector<1x128xf32>
      %mul3A_154 = arith.constant 5.000000e-01 : f32
      %mul3A_155 = vector.broadcast %mul3A_154 : f32 to vector<1x128xf32>
      %mul3A_156 = arith.mulf %mul3A_155, %sub3A_153 : vector<1x128xf32>
      %mul3A_157 = arith.mulf %tanh3A_143, %mul3A_156 : vector<1x128xf32>
      %add3A_158 = arith.addf %mul3A_152, %mul3A_157 : vector<1x128xf32>
      %swap3A_159 = arith.index_cast %scan3A_112 : i32 to index
      %swap3A_160 = arith.constant 0 : index
      %swap3A_161 = vector.load %arg3[%swap3A_159, %swap3A_160] : memref<10000x128xf32, #tpu.memory_space<vmem>>, vector<1x128xf32>
      tpu.vector_store %arg3[%swap3A_159, %swap3A_160], %add3A_158 {strides = array<i32>} : memref<10000x128xf32, #tpu.memory_space<vmem>>, vector<1x128xf32>,
      %broadcast_in_dim3A_162 = vector.shape_cast %add3A_158 : vector<1x128xf32> to vector<1x128xf32>
      %broadcast_in_dim3A_163 = vector.broadcast %broadcast_in_dim3A_162 : vector<1x128xf32> to vector<128x128xf32>
      %transpose3A_164 = tpu.transpose %broadcast_in_dim3A_163, [1, 0] : vector<128x128xf32> -> vector<128x128xf32>
      %scan3A_165 = arith.constant 3 : i32
      %scan3A_166 = arith.addi %scan3A_10, %scan3A_165 : i32
      %get3A_167 = arith.index_cast %scan3A_166 : i32 to index
      %get3A_168 = arith.constant 0 : index
      %get3A_169 = vector.load %arg0[%get3A_167, %get3A_168] : memref<10000x384xf32, #tpu.memory_space<vmem>>, vector<1x384xf32>
      %get3A_170 = arith.constant 0 : index
      %get3A_171 = arith.constant 0 : index
      %get3A_172 = vector.load %arg1[%get3A_170, %get3A_171] : memref<128x384xf32, #tpu.memory_space<vmem>>, vector<128x128xf32>
      %mul3A_173 = arith.mulf %transpose3A_164, %get3A_172 : vector<128x128xf32>
      %reduce_sum3A_174 = arith.constant dense<0.000000e+00> : vector<128xf32>
      %reduce_sum3A_175 = vector.multi_reduction <add>, %mul3A_173, %reduce_sum3A_174 [0] : vector<128x128xf32> to vector<128xf32>
      %broadcast_in_dim3A_176 = vector.shape_cast %reduce_sum3A_175 : vector<128xf32> to vector<1x128xf32>
      %get3A_177 = arith.constant 0 : index
      %get3A_178 = arith.constant 128 : index
      %get3A_179 = vector.load %arg1[%get3A_177, %get3A_178] : memref<128x384xf32, #tpu.memory_space<vmem>>, vector<128x128xf32>
      %mul3A_180 = arith.mulf %transpose3A_164, %get3A_179 : vector<128x128xf32>
      %reduce_sum3A_181 = arith.constant dense<0.000000e+00> : vector<128xf32>
      %reduce_sum3A_182 = vector.multi_reduction <add>, %mul3A_180, %reduce_sum3A_181 [0] : vector<128x128xf32> to vector<128xf32>
      %broadcast_in_dim3A_183 = vector.shape_cast %reduce_sum3A_182 : vector<128xf32> to vector<1x128xf32>
      %get3A_184 = arith.constant 0 : index
      %get3A_185 = arith.constant 256 : index
      %get3A_186 = vector.load %arg1[%get3A_184, %get3A_185] : memref<128x384xf32, #tpu.memory_space<vmem>>, vector<128x128xf32>
      %mul3A_187 = arith.mulf %transpose3A_164, %get3A_186 : vector<128x128xf32>
      %reduce_sum3A_188 = arith.constant dense<0.000000e+00> : vector<128xf32>
      %reduce_sum3A_189 = vector.multi_reduction <add>, %mul3A_187, %reduce_sum3A_188 [0] : vector<128x128xf32> to vector<128xf32>
      %broadcast_in_dim3A_190 = vector.shape_cast %reduce_sum3A_189 : vector<128xf32> to vector<1x128xf32>
      %add3A_191 = arith.addf %broadcast_in_dim3A_190, %get3A_1 : vector<1x128xf32>
      %slice3A_192 = vector.extract_strided_slice %get3A_169 {offsets = [0, 0], sizes = [1, 128], strides = [1, 1]} : vector<1x384xf32> to vector<1x128xf32>
      %add3A_193 = arith.addf %slice3A_192, %broadcast_in_dim3A_176 : vector<1x128xf32>
      %tanh3A_194 = math.tanh %add3A_193 : vector<1x128xf32>
      %slice3A_195 = vector.extract_strided_slice %get3A_169 {offsets = [0, 128], sizes = [1, 128], strides = [1, 1]} : vector<1x384xf32> to vector<1x128xf32>
      %add3A_196 = arith.addf %slice3A_195, %broadcast_in_dim3A_183 : vector<1x128xf32>
      %tanh3A_197 = math.tanh %add3A_196 : vector<1x128xf32>
      %slice3A_198 = vector.extract_strided_slice %get3A_169 {offsets = [0, 256], sizes = [1, 128], strides = [1, 1]} : vector<1x384xf32> to vector<1x128xf32>
      %add3A_199 = arith.addf %slice3A_198, %add3A_191 : vector<1x128xf32>
      %mul3A_200 = arith.mulf %tanh3A_194, %add3A_191 : vector<1x128xf32>
      %add3A_201 = arith.addf %add3A_199, %mul3A_200 : vector<1x128xf32>
      %tanh3A_202 = math.tanh %add3A_201 : vector<1x128xf32>
      %add3A_203 = arith.addf %tanh3A_202, %add3A_158 : vector<1x128xf32>
      %mul3A_204 = arith.constant 5.000000e-01 : f32
      %mul3A_205 = vector.broadcast %mul3A_204 : f32 to vector<1x128xf32>
      %mul3A_206 = arith.mulf %mul3A_205, %add3A_203 : vector<1x128xf32>
      %sub3A_207 = arith.subf %add3A_158, %tanh3A_202 : vector<1x128xf32>
      %mul3A_208 = arith.constant 5.000000e-01 : f32
      %mul3A_209 = vector.broadcast %mul3A_208 : f32 to vector<1x128xf32>
      %mul3A_210 = arith.mulf %mul3A_209, %sub3A_207 : vector<1x128xf32>
      %mul3A_211 = arith.mulf %tanh3A_197, %mul3A_210 : vector<1x128xf32>
      %add3A_212 = arith.addf %mul3A_206, %mul3A_211 : vector<1x128xf32>
      %swap3A_213 = arith.index_cast %scan3A_166 : i32 to index
      %swap3A_214 = arith.constant 0 : index
      %swap3A_215 = vector.load %arg3[%swap3A_213, %swap3A_214] : memref<10000x128xf32, #tpu.memory_space<vmem>>, vector<1x128xf32>
      tpu.vector_store %arg3[%swap3A_213, %swap3A_214], %add3A_212 {strides = array<i32>} : memref<10000x128xf32, #tpu.memory_space<vmem>>, vector<1x128xf32>,
      %broadcast_in_dim3A_216 = vector.shape_cast %add3A_212 : vector<1x128xf32> to vector<1x128xf32>
      %broadcast_in_dim3A_217 = vector.broadcast %broadcast_in_dim3A_216 : vector<1x128xf32> to vector<128x128xf32>
      %transpose3A_218 = tpu.transpose %broadcast_in_dim3A_217, [1, 0] : vector<128x128xf32> -> vector<128x128xf32>
      scf.yield %add3A_212, %transpose3A_218 : vector<1x128xf32>, vector<128x128xf32>
    }
    %scan3A_9 = arith.constant 10000 : i32
    return
  }
}

module attributes {stable_mosaic.version = 14 : i64} {
  func.func @_gi_body(%arg0: memref<10000x256xf32, #tpu.memory_space<vmem>>, %arg1: memref<256x384xf32, #tpu.memory_space<vmem>>, %arg2: memref<1x384xf32, #tpu.memory_space<vmem>>, %arg3: memref<10000x384xf32, #tpu.memory_space<vmem>>) attributes {dimension_semantics = [], scalar_prefetch = 0 : i64, scratch_operands = 0 : i64, tpu.core_type = #tpu.core_type<tc>} {
    %get3A = arith.constant 0 : index
    %get3A_0 = arith.constant 0 : index
    %get3A_1 = vector.load %arg0[%get3A, %get3A_0] : memref<10000x256xf32, #tpu.memory_space<vmem>>, vector<10000x256xf32>
    %get3A_2 = arith.constant 0 : index
    %get3A_3 = arith.constant 0 : index
    %get3A_4 = vector.load %arg1[%get3A_2, %get3A_3] : memref<256x384xf32, #tpu.memory_space<vmem>>, vector<256x384xf32>
    %dot_general3A = arith.constant dense<0.000000e+00> : vector<10000x384xf32>
    %dot_general3A_5 = tpu.matmul %get3A_1, %get3A_4, %dot_general3A {dimension_numbers = #tpu.dot_dimension_numbers<[1], [0], [0], [1], [0, 0, 1, 1], [], []>, transpose_lhs_hint = false} : vector<10000x256xf32>, vector<256x384xf32>, vector<10000x384xf32> -> vector<10000x384xf32>
    %get3A_6 = arith.constant 0 : index
    %get3A_7 = arith.constant 0 : index
    %get3A_8 = vector.load %arg2[%get3A_6, %get3A_7] : memref<1x384xf32, #tpu.memory_space<vmem>>, vector<1x384xf32>
    %add3A = vector.broadcast %get3A_8 : vector<1x384xf32> to vector<10000x384xf32>
    %add3A_9 = arith.addf %dot_general3A_5, %add3A : vector<10000x384xf32>
    %swap3A = arith.constant 0 : index
    %swap3A_10 = arith.constant 0 : index
    %swap3A_11 = vector.load %arg3[%swap3A, %swap3A_10] : memref<10000x384xf32, #tpu.memory_space<vmem>>, vector<10000x384xf32>
    tpu.vector_store %arg3[%swap3A, %swap3A_10], %add3A_9 {strides = array<i32>} : memref<10000x384xf32, #tpu.memory_space<vmem>>, vector<10000x384xf32>,
    return
  }
}

module attributes {stable_mosaic.version = 14 : i64} {
  func.func @_out_body(%arg0: memref<10000x128xf32, #tpu.memory_space<vmem>>, %arg1: memref<128x40xf32, #tpu.memory_space<vmem>>, %arg2: memref<1x40xf32, #tpu.memory_space<vmem>>, %arg3: memref<10000x40xf32, #tpu.memory_space<vmem>>) attributes {dimension_semantics = [], scalar_prefetch = 0 : i64, scratch_operands = 0 : i64, tpu.core_type = #tpu.core_type<tc>} {
    %get3A = arith.constant 0 : index
    %get3A_0 = arith.constant 0 : index
    %get3A_1 = vector.load %arg0[%get3A, %get3A_0] : memref<10000x128xf32, #tpu.memory_space<vmem>>, vector<10000x128xf32>
    %get3A_2 = arith.constant 0 : index
    %get3A_3 = arith.constant 0 : index
    %get3A_4 = vector.load %arg1[%get3A_2, %get3A_3] : memref<128x40xf32, #tpu.memory_space<vmem>>, vector<128x40xf32>
    %dot_general3A = arith.constant dense<0.000000e+00> : vector<10000x40xf32>
    %dot_general3A_5 = tpu.matmul %get3A_1, %get3A_4, %dot_general3A {dimension_numbers = #tpu.dot_dimension_numbers<[1], [0], [0], [1], [0, 0, 1, 1], [], []>, transpose_lhs_hint = false} : vector<10000x128xf32>, vector<128x40xf32>, vector<10000x40xf32> -> vector<10000x40xf32>
    %get3A_6 = arith.constant 0 : index
    %get3A_7 = arith.constant 0 : index
    %get3A_8 = vector.load %arg2[%get3A_6, %get3A_7] : memref<1x40xf32, #tpu.memory_space<vmem>>, vector<1x40xf32>
    %add3A = vector.broadcast %get3A_8 : vector<1x40xf32> to vector<10000x40xf32>
    %add3A_9 = arith.addf %dot_general3A_5, %add3A : vector<10000x40xf32>
    %swap3A = arith.constant 0 : index
    %swap3A_10 = arith.constant 0 : index
    %swap3A_11 = vector.load %arg3[%swap3A, %swap3A_10] : memref<10000x40xf32, #tpu.memory_space<vmem>>, vector<10000x40xf32>
    tpu.vector_store %arg3[%swap3A, %swap3A_10], %add3A_9 {strides = array<i32>} : memref<10000x40xf32, #tpu.memory_space<vmem>>, vector<10000x40xf32>,
    return
  }
}

</mosaic_0001>

<sc_bundles>
// kernel: kernel.13.cloned.1.call-start
scs
__scs_entry_jumppad:
0x0: {  	(pc) =	sbr.rel $0x88, $3  }
0x1: {  	(tag) =	ssettag $0x0;
	lr =	simm.s32 $0x1  }
0x2: {  	[smem:$0x3F89] =	sst lr;
	_ =	strace $0xD0000000  }
0x3: {  	_ = 	snop  }
0x4: {  	_ = 	snop  }
0x5: {  	_ = 	snop  }
0x6: {  	_ = 	snop  }
0x7: {  	_ = 	snop  }
__scs_overlays_trampoline_lowered:
0x8: {  	[smem:$0x3F98] =	sst s0  }
0x9: {  	[smem:$0x3F99] =	sst s1  }
0xa: {  	[smem:$0x3F9A] =	sst s2  }
0xb: {  	[smem:$0x3F9B] =	sst s3  }
0xc: {  	[smem:$0x3F9C] =	sst s4  }
0xd: {  	[smem:$0x3F9D] =	sst s5  }
0xe: {  	[smem:$0x3F9E] =	sst s6  }
0xf: {  	[smem:$0x3F9F] =	sst s7  }
0x10: {  	[smem:$0x3FA0] =	sst s8  }
0x11: {  	[smem:$0x3FA1] =	sst s9;
	s0 =	simm.s32 @!p0 $0x0  }
0x12: {  	s1 =	sld [smem:$0x3F87];
	s0 =	simm.s32 @p0 $0x1  }
0x13: {  	[smem:$0x3FA2] =	sst s0;
	s0 =	simm.s32 @!p1 $0x0  }
0x14: {  	s2 =	sld [smem:$0x3F86];
	s0 =	simm.s32 @p1 $0x1  }
0x15: {  	[smem:$0x3FA3] =	sst s0;
	s0 =	simm.s32 @!p2 $0x0  }
0x16: {  	s3 =	sld [smem:$0x3FDB];
	s0 =	simm.s32 @p2 $0x1  }
0x17: {  	s4 =	simm.s32 $0x1BF5;
	[smem:$0x3FA5] =	sst s0  }
0x18: {  	s0 =	sld [smem:$0x3F88];
	_ =	swait.ge [sflag:s4], $0x0  }
0x19: {  	s7 =	sld [smem:$0x3F89]  }
0x1a: {  	s8 =	sadd.s32 $0xFFFFE003, lr  }
0x1b: {  	s9 =	sadd.s32 $0xFFFFFEF7, lr;
	s5 =	simm.s32 $0xFFFFFFFF;
	p2 =	slt.u32 s8, $0xFFFFF086  }
0x1c: {  	p1 =	slt.u32 s9, $0xF7A;
	s5 =	simm.s32 @!p2 $0x0  }
0x1d: {  	s5 =	simm.s32 @p1 $0x1;
	p0 =	seq.s32 s7, s2  }
0x1e: {  	s7 =	smul.u32 @!p0 $0xF7A, s2;
	p2 =	seq.s32 @!p0 s5, $0x0  }
0x1f: {  	s9 =	smul.u32 $0xF7A, s1;
	s8 =	simm.s32 @!p0 $0x1BF5;
	p2 =	por !p2, p0  }
0x20: {  	[sflag:s8] =	ssyncset.s32 @!p0 $0xFFFFF086;
	s6 =	sadd.s32 @!p0 s3, s7;
	s7 =	simm.s32 @!p0 $0x108  }
0x21: {  	s3 =	sadd.s32 s3, s9;
	s6 =	sadd.s32 @!p0 $0x88, s6;
	s7 =	simm.s32 @p2 $0x1082  }
0x22: {  	[simem:s7], [sflag:s8] =	dma.local @!p0 [hbm:s6], $0xF7A  }
0x23: {  	s9 =	sor.u32 $0xD0000000, s2;
	s6 =	simm.s32 $0x108;
	_ =	swait.ge @!p0 [sflag:s8], $0x0  }
0x24: {  	s3 =	sadd.s32 $0x88, s3;
	s6 =	simm.s32 @!p1 $0x1082;
	[sflag:s4] =	ssyncset.s32 $0xFFFFF086  }
0x25: {  	[simem:s6], [sflag:s4] =	dma.local [hbm:s3], $0xF7A  }
0x26: {  	[smem:$0x3F89] =	sst s1;
	(tag) =	ssettag s2;
	_ =	strace s9  }
0x27: {  	s1 =	sld [smem:$0x3F99]  }
0x28: {  	s2 =	sld [smem:$0x3F9A]  }
0x29: {  	s4 =	sld [smem:$0x3F9C]  }
0x2a: {  	p0 =	seq.s32 s5, $0x0;
	s5 =	sld [smem:$0x3F9D]  }
0x2b: {  	s6 =	sld [smem:$0x3F9E]  }
0x2c: {  	s7 =	sld [smem:$0x3F9F]  }
0x2d: {  	s3 =	simm.s32 $0x108;
	s8 =	sld [smem:$0x3FA0]  }
0x2e: {  	s3 =	simm.s32 @!p0 $0x1082;
	s9 =	sld [smem:$0x3FA1]  }
0x2f: {  	lr =	sadd.s32 s0, s3;
	s0 =	sld [smem:$0x3F98]  }
0x30: {  	s3 =	sld [smem:$0x3F9B]  }
0x31: {  	[smem:$0x3FA4] =	sst s10  }
0x32: {  	s10 =	sld [smem:$0x3FA2];
	_ =	sdelay $0x3  }
0x33: {  	p0 =	seq.s32 s10, $0x1;
	s10 =	sld [smem:$0x3FA4];
	_ =	sdelay $0x3  }
0x34: {  	[smem:$0x3FA4] =	sst s10  }
0x35: {  	s10 =	sld [smem:$0x3FA3];
	_ =	sdelay $0x3  }
0x36: {  	p1 =	seq.s32 s10, $0x1;
	s10 =	sld [smem:$0x3FA4];
	_ =	sdelay $0x3  }
0x37: {  	[smem:$0x3FA4] =	sst s10  }
0x38: {  	s10 =	sld [smem:$0x3FA5]  }
0x39: {  	_ = 	snop;
	(pc) =	sbr.ind lr, $3  }
0x3a: {  	_ = 	snop  }
0x3b: {  	_ = 	snop  }
0x3c: {  	p2 =	seq.s32 s10, $0x1;
	s10 =	sld [smem:$0x3FA4]  }
0x3d: {  	_ =	shalt  }
0x3e: {  	_ =	shalt  }
0x3f: {  	_ =	shalt  }
0x40: {  	_ =	shalt  }
0x41: {  	_ =	shalt  }
0x42: {  	_ =	shalt  }
0x43: {  	_ =	shalt  }
0x44: {  	_ =	shalt  }
0x45: {  	_ =	shalt  }
0x46: {  	_ =	shalt  }
0x47: {  	_ =	shalt  }
0x48: {  	_ =	shalt  }
0x49: {  	_ =	shalt  }
0x4a: {  	_ =	shalt  }
0x4b: {  	_ =	shalt  }
0x4c: {  	_ =	shalt  }
0x4d: {  	_ =	shalt  }
0x4e: {  	_ =	shalt  }
0x4f: {  	_ =	shalt  }
0x50: {  	_ =	shalt  }
0x51: {  	_ =	shalt  }
0x52: {  	_ =	shalt  }
0x53: {  	_ =	shalt  }
0x54: {  	_ =	shalt  }
0x55: {  	_ =	shalt  }
0x56: {  	_ =	shalt  }
0x57: {  	_ =	shalt  }
0x58: {  	_ =	shalt  }
0x59: {  	_ =	shalt  }
0x5a: {  	_ =	shalt  }
0x5b: {  	_ =	shalt  }
0x5c: {  	_ =	shalt  }
0x5d: {  	_ =	shalt  }
0x5e: {  	_ =	shalt  }
0x5f: {  	_ =	shalt  }
0x60: {  	_ =	shalt  }
0x61: {  	_ =	shalt  }
0x62: {  	_ =	shalt  }
0x63: {  	_ =	shalt  }
0x64: {  	_ =	shalt  }
0x65: {  	_ =	shalt  }
0x66: {  	_ =	shalt  }
0x67: {  	_ =	shalt  }
0x68: {  	_ =	shalt  }
0x69: {  	_ =	shalt  }
0x6a: {  	_ =	shalt  }
0x6b: {  	_ =	shalt  }
0x6c: {  	_ =	shalt  }
0x6d: {  	_ =	shalt  }
0x6e: {  	_ =	shalt  }
0x6f: {  	_ =	shalt  }
0x70: {  	_ =	shalt  }
0x71: {  	_ =	shalt  }
0x72: {  	_ =	shalt  }
0x73: {  	_ =	shalt  }
0x74: {  	_ =	shalt  }
0x75: {  	_ =	shalt  }
0x76: {  	_ =	shalt  }
0x77: {  	_ =	shalt  }
0x78: {  	_ =	shalt  }
0x79: {  	_ =	shalt  }
0x7a: {  	_ =	shalt  }
0x7b: {  	_ =	shalt  }
0x7c: {  	_ =	shalt  }
0x7d: {  	_ =	shalt  }
0x7e: {  	_ =	shalt  }
0x7f: {  	_ =	shalt  }
0x80: {  	_ =	shalt  }
0x81: {  	_ =	shalt  }
0x82: {  	_ =	shalt  }
0x83: {  	_ =	shalt  }
0x84: {  	_ =	shalt  }
0x85: {  	_ =	shalt  }
0x86: {  	_ =	shalt  }
0x87: {  	_ =	shalt  }
.Lfunc_end0:
.L_simem_size_0:
called_computation_lowered:
.L_overlay_start_0:
0x88: {  	s2 =	sld [smem:$0x3FD9]  }
0x89: {  	s3 =	sld [smem:$0x3FFE];
	_ =	sdelay $0x1  }
0x8a: {  	s1 =	srdreg.scid  }
0x8b: {  	s0 =	sand.u32 $0x1, s1  }
0x8c: {  	s17 =	sshll.u32 s0, $0xA;
	s2 =	sadd.s32 s3, s2  }
0x8d: {  	s2 =	sadd.s32 s2, s17  }
0x8e: {  	[smem:$0x3FB0] =	sst s2  }
0x8f: {  	_ = 	snop  }
0x90: {  	s2 =	sld [smem:$0x3FD0];
	(tm) =	ssettm $0x1  }
0x91: {  	s18 =	sld [smem:$0x3FFB];
	_ =	sdelay $0x3  }
0x92: {  	_ =	strace s18  }
0x93: {  	s3 =	sld [smem:$0x3FFC];
	_ =	sdelay $0x3  }
0x94: {  	_ =	strace s3  }
0x95: {  	s3 =	sld [smem:$0x3FFD];
	_ =	sdelay $0x3  }
0x96: {  	_ =	strace s3  }
0x97: {  	_ =	strace $0x8FFFFFFF  }
0x98: {  	s19 =	sld [smem:$0x3FDB];
	_ =	sdelay $0x1  }
0x99: {  	s4 =	simm.s32 $_scs_section_size  }
0x9a: {  	s5 =	simm.s32 $_size__tile_overlayer_lowered;
	s6 =	simm.s32 $_tile_overlayer_lowered  }
0x9b: {  	s22 =	simm.s32 $0x1BFF;
	s21 =	sshll.u32 s6, $0x1;
	s3 =	sadd.s32 s4, s19  }
0x9c: {  	s7 =	simm.s32 $0x0;
	s20 =	sshll.u32 s5, $0x1;
	s5 =	sadd.s32 s21, s3  }
0x9d: {  	[timem:s7], [sflag:s22] =	dma.local [hbm:s5], s20  }
0x9e: {  	_ =	swait.ge [sflag:s22], s20  }
0x9f: {  	s4 =	ssub.s32 $0x0, s20;
	[sflag:s22] =	ssyncset.done $0x0  }
0xa0: {  	[sflag:s22] =	ssyncadd.s32 s4;
	_ =	sdelay $0x1  }
0xa1: {  	s23 =	simm.s32 $0x1B8B  }
0xa2: {  	_ =	swait.ge [sflag:s23], $0x1  }
0xa3: {  	[sflag:s23] =	ssyncset.done $0x0  }
0xa4: {  	s25 =	simm.s32 $0x1B8E;
	s24 =	sld [smem:$0x3FFE];
	[sflag:s23] =	ssyncadd.s32 $0xFFFFFFFF  }
0xa5: {  	s26 =	simm.s32 $execute0_lowered;
	[smem:$0x3FD2] =	sst s25  }
0xa6: {  	s5 =	sshll.u32 s26, $0x1;
	_ =	strace $0x80000046;
	[dreg:$0x1] =	wrdreg $0xFFFFFFFF  }
0xa7: {  	s28 =	simm.s32 $_size_execute0_lowered;
	s3 =	sadd.s32 s3, s5;
	[dreg:$0x0] =	wrdreg $0x0  }
0xa8: {  	s5 =	sshll.u32 s28, $0x1;
	[dreg:$0x2] =	wrdreg s3  }
0xa9: {  	[dreg:$0x3] =	wrdreg s5  }
0xaa: {  	[dreg:$0x4] =	wrdreg $0xC0  }
0xab: {  	_ =	task [dreg:s7], $0x5FFFF  }
0xac: {  	[dreg:$0x1] =	wrdreg $0xFFFFFFFF  }
0xad: {  	[dreg:$0x0] =	wrdreg $0x60  }
0xae: {  	[dreg:$0x2] =	wrdreg s24  }
0xaf: {  	[dreg:$0x3] =	wrdreg s2  }
0xb0: {  	[dreg:$0x4] =	wrdreg $0x43800  }
0xb1: {  	[dreg:$0x5] =	wrdreg $0x9  }
0xb2: {  	_ =	task.clear_ibuf [dreg:s7], $0x6FFFF;
	_ =	strace $0x90000046  }
0xb3: {  	s29 =	simm.s32 $0x9;
	_ =	strace $0x80000048  }
0xb4: {  	_ =	swait.ge [sflag:s29], $0x1  }
0xb5: {  	[sflag:s29] =	ssyncadd.s32 $0xFFFFFFFF  }
0xb6: {  	_ =	strace $0x90000048  }
0xb7: {  	_ =	sfence  }
0xb8: {  	s30 =	sld [smem:$0x0];
	_ =	sdelay $0x2  }
0xb9: {  	s31 =	sshll.u32 s1, $0xD;
	s1 =	sshrl.u32 s1, $0x2  }
0xba: {  	s3 =	sand.u32 $0x4000, s31;
	s1 =	sadd.s32 s1, s30  }
0xbb: {  	s0 =	sor.u32 s3, s0;
	s1 =	sshll.u32 s1, $0x11  }
0xbc: {  	s0 =	sor.u32 s1, s0  }
0xbd: {  	s0 =	sadd.s32 $0x8F2B, s0  }
0xbe: {  	[sflag:s0] =	ssyncadd.remote.s32 $0x1  }
0xbf: {  	_ =	sfence.sel $0xFFFF  }
0xc0: {  	[dreg:$0x0] =	wrdreg $0xFFFFFFFF;
	(pc) =	sbr.abs _section_cstart, $3  }
0xc1: {  	[dreg:$0x1] =	wrdreg $0xFFFFFFFF  }
0xc2: {  	_ =	task.clear_ibuf [dreg:s7], $0x2FFFF;
	_ =	strace $0x9FFFFFFF  }
0xc3: {  	(tm) =	ssettm $0x7FFFFFFF  }
tec
execute0_lowered:
.L_overlay_start_1:
0x0: {  	(tag) =	ssettag $0x1  }
0x1: {  	s5 =	rddreg [dreg:$0x0]  }
0x2: {  	s8 =	rddreg [dreg:$0x1]  }
0x3: {  	s0 =	srdreg.scid;
	s2 =	rddreg [dreg:$0x2]  }
0x4: {  	s3 =	simm.s32 $0x0;
	s12 =	simm.s32 $0x1400;
	s13 =	simm.s32 $0x80  }
0x5: {  	s14 =	simm.s32 $0x0;
	s6 =	sand.u32 $0x1, s0;
	s0 =	stileid.u32  }
0x6: {  	[smem:$0x7FF] =	sst s3;
	s1 =	sshll.u32 s6, $0x4;
	s7 =	smul.u32 $0x2780, s0  }
0x7: {  	s10 =	smul.u32 $0x27800, s6;
	s6 =	ssub.s32 $0x2, s6;
	s4 =	sor.u32 s0, s1  }
0x8: {  	s1 =	rddreg [dreg:$0x3];
	_ =	strace $0x80000047;
	s4 =	smul.u32 $0x280, s4  }
0x9: {  	s31 =	sshrl.u32 s6, $0x1;
	s11 =	sshrl.u32 s7, $0x3;
	s10 =	sadd.s32 s7, s10  }
0xa: {  	s10 =	sshrl.u32 s10, $0x3;
	s9 =	sadd.s32 s4, s5;
	s4 =	sadd.s32 $0xE200, s5  }
0xb: {  	s5 =	sadd.s32 s11, s5;
	s11 =	ssub.s32 s6, s31;
	s6 =	sadd.s32 s7, s2  }
0xc: {  	s8 =	sadd.s32 s8, s10;
	s10 =	simm.s32 $0x1C00;
	s5 =	sadd.s32 $0x9200, s5  }
0xd: {  	s7 =	sadd.s32 $0x4200, s9;
	s9 =	smax.u32 s11, $0x1;
	s11 =	simm.s32 $0x1  }
.LBB2_1:
0xe: {  	[tilespmem:s10], [sflag:$0x1] =	stream.linear.gather [hbm4b:s5+s3], $0x2780, $0x38;
	[tilespmem:$0x6B00] =	vst v63  }
0xf: {  	_ =	swait.ge [sflag:s11], $0x2780  }
0x10: {  	[sflag:s11] =	ssyncset.done $0x0  }
0x11: {  	[sflag:s11] =	ssyncadd.s32 $0xFFFFD880  }
0x12: {  	[spmem:s6] =	stream.linear.scatter [tilespmem:s10], [sflag:$0x1], $0x2780, $0x38;
	[tilespmem:$0x6B00] =	vst v63  }
0x13: {  	_ =	swait.ge [sflag:s11], $0x2780  }
0x14: {  	[sflag:s11] =	ssyncset.done $0x0  }
0x15: {  	[sflag:s11] =	ssyncadd.s32 $0xFFFFD880  }
0x16: {  	[tilespmem:s12], [sflag:$0x1] =	stream.linear.gather [hbm4b:s4+s3], $0x800, $0x38;
	[tilespmem:$0x6B00] =	vst v63  }
0x17: {  	_ =	swait.ge [sflag:s11], $0x800  }
0x18: {  	[sflag:s11] =	ssyncset.done $0x0  }
0x19: {  	[sflag:s11] =	ssyncadd.s32 $0xFFFFF800  }
0x1a: {  	[tilespmem:s3], [sflag:$0x1] =	stream.linear.gather [hbm4b:s7+s3], $0x1400, $0x38;
	[tilespmem:$0x6B00] =	vst v63  }
0x1b: {  	_ =	swait.ge [sflag:s11], $0x1400  }
0x1c: {  	[sflag:s11] =	ssyncset.done $0x0  }
0x1d: {  	[sflag:s11] =	ssyncadd.s32 $0xFFFFEC00  }
0x1e: {  	s15 =	simm.s32 $0x0;
	[bflag:$0x0] =	sbarrier.arrive $0xFFFF  }
0x1f: {  	[spmem:s2] =	stream.indirect.scatter.add.f32 [tilespmem:s12], [sflag:$0x1], $0x10, s15, s13, $0xb8;
	[tilespmem:$0x6B00] =	vst v63  }
0x20: {  	_ =	swait.ge [sflag:s11], $0x800  }
0x21: {  	s15 =	simm.s32 $0x200;
	[sflag:s11] =	ssyncset.done $0x0  }
.LBB2_2:
0x22: {  	s16 =	sshra.s32 s15, $0x2;
	[sflag:s11] =	ssyncadd.s32 $0xFFFFF800;
	p0 =	sne.s32 s15, $0x4E00  }
0x23: {  	[spmem:s2] =	stream.indirect.scatter.add.f32 [tilespmem:s12], [sflag:$0x1], $0x10, s16, s13, $0xb8;
	[tilespmem:$0x6B00] =	vst v63  }
.Ltmp0:
0x24: {  	_ = 	snop;
	(pc) =	sbr.rel @p0 .LBB2_2-.Ltmp0, $4  }
0x25: {  	_ = 	snop  }
0x26: {  	s15 =	sadd.s32 $0x200, s15  }
0x27: {  	_ =	swait.ge [sflag:s11], $0x800  }
0x28: {  	[sflag:s11] =	ssyncset.done $0x0  }
0x29: {  	[sflag:s11] =	ssyncadd.s32 $0xFFFFF800  }
0x2a: {  	[bflag:$0x0] =	sbarrier.arrive $0xFFFF  }
0x2b: {  	[tilespmem:s10], [sflag:$0x1] =	stream.linear.gather [spmem:s6], $0x2780, $0x38;
	[tilespmem:$0x6B00] =	vst v63  }
0x2c: {  	s14 =	sadd.s32 $0x1, s14;
	_ =	swait.ge [sflag:s11], $0x2780  }
0x2d: {  	p0 =	sne.s32 s14, s9;
	[sflag:s11] =	ssyncset.done $0x0  }
.Ltmp1:
0x2e: {  	[sflag:s11] =	ssyncadd.s32 $0xFFFFD880;
	(pc) =	sbr.rel @p0 .LBB2_1-.Ltmp1, $4  }
0x2f: {  	[hbm4b:s8+s3] =	stream.linear.scatter [tilespmem:s10], [sflag:$0x1], $0x2780, $0x38;
	[tilespmem:$0x6B00] =	vst v63  }
0x30: {  	_ =	swait.ge [sflag:s11], $0x2780  }
0x31: {  	[sflag:s11] =	ssyncset.done $0x0  }
0x32: {  	[sflag:s11] =	ssyncadd.s32 $0xFFFFD880  }
0x33: {  	_ =	sfence.sel $0x180000  }
0x34: {  	[bflag:$0x0] =	sbarrier.arrive $0xFFFF  }
0x35: {  	p0 =	sne.s32 s0, $0x0;
	_ =	strace $0x90000047  }
0x36: {  	s0 =	sadd.s32 @!p0 $0x100000, s1;
	[bflag:$0x2] =	sbarrier.arrive $0xFFFF  }
0x37: {  	[sflag:s0] =	ssyncadd.tile.s32 @!p0 $0x1;
	_ =	shalt  }
.Lfunc_end2:
_tile_overlayer_lowered:
.L_overlay_start_2:
0x38: {  	(tag) =	ssettag $0x2  }
0x39: {  	s0 =	rddreg [dreg:$0x0];
	s2 =	stileid.u32  }
0x3a: {  	s1 =	rddreg [dreg:$0x1];
	p0 =	sne.s32 s2, $0x0  }
0x3b: {  	s3 =	rddreg [dreg:$0x2];
	[bflag:$0x3] =	sbarrier.arrive $0xFFFF;
	s2 =	simm.s32 @!p0 $0x1C01  }
0x3c: {  	[timem:s3], [sflag:s2] =	dma.local @!p0 [hbm:s0], s1  }
0x3d: {  	s0 =	simm.s32 @!p0 $0x1  }
0x3e: {  	_ =	swait.ge @!p0 [sflag:s0], s1  }
0x3f: {  	s1 =	ssub.s32 @!p0 $0x0, s1;
	[sflag:s0] =	ssyncset.done @!p0 $0x0  }
0x40: {  	[sflag:s0] =	ssyncadd.s32 @!p0 s1  }
0x41: {  	[bflag:$0x3] =	sbarrier.arrive $0xFFFF  }
0x42: {  	_ =	shalt  }

// kernel: kernel.16.cloned.1.call-start
scs
__scs_entry_jumppad:
0x0: {  	(pc) =	sbr.rel $0x88, $3  }
0x1: {  	(tag) =	ssettag $0x0;
	lr =	simm.s32 $0x1  }
0x2: {  	[smem:$0x3F89] =	sst lr;
	_ =	strace $0xD0000000  }
0x3: {  	_ = 	snop  }
0x4: {  	_ = 	snop  }
0x5: {  	_ = 	snop  }
0x6: {  	_ = 	snop  }
0x7: {  	_ = 	snop  }
__scs_overlays_trampoline_lowered:
0x8: {  	[smem:$0x3F98] =	sst s0  }
0x9: {  	[smem:$0x3F99] =	sst s1  }
0xa: {  	[smem:$0x3F9A] =	sst s2  }
0xb: {  	[smem:$0x3F9B] =	sst s3  }
0xc: {  	[smem:$0x3F9C] =	sst s4  }
0xd: {  	[smem:$0x3F9D] =	sst s5  }
0xe: {  	[smem:$0x3F9E] =	sst s6  }
0xf: {  	[smem:$0x3F9F] =	sst s7  }
0x10: {  	[smem:$0x3FA0] =	sst s8  }
0x11: {  	[smem:$0x3FA1] =	sst s9;
	s0 =	simm.s32 @!p0 $0x0  }
0x12: {  	s1 =	sld [smem:$0x3F87];
	s0 =	simm.s32 @p0 $0x1  }
0x13: {  	[smem:$0x3FA2] =	sst s0;
	s0 =	simm.s32 @!p1 $0x0  }
0x14: {  	s2 =	sld [smem:$0x3F86];
	s0 =	simm.s32 @p1 $0x1  }
0x15: {  	[smem:$0x3FA3] =	sst s0;
	s0 =	simm.s32 @!p2 $0x0  }
0x16: {  	s3 =	sld [smem:$0x3FDB];
	s0 =	simm.s32 @p2 $0x1  }
0x17: {  	s4 =	simm.s32 $0x1BF5;
	[smem:$0x3FA5] =	sst s0  }
0x18: {  	s0 =	sld [smem:$0x3F88];
	_ =	swait.ge [sflag:s4], $0x0  }
0x19: {  	s7 =	sld [smem:$0x3F89]  }
0x1a: {  	s8 =	sadd.s32 $0xFFFFE003, lr  }
0x1b: {  	s9 =	sadd.s32 $0xFFFFFEF7, lr;
	s5 =	simm.s32 $0xFFFFFFFF;
	p2 =	slt.u32 s8, $0xFFFFF086  }
0x1c: {  	p1 =	slt.u32 s9, $0xF7A;
	s5 =	simm.s32 @!p2 $0x0  }
0x1d: {  	s5 =	simm.s32 @p1 $0x1;
	p0 =	seq.s32 s7, s2  }
0x1e: {  	s7 =	smul.u32 @!p0 $0xF7A, s2;
	p2 =	seq.s32 @!p0 s5, $0x0  }
0x1f: {  	s9 =	smul.u32 $0xF7A, s1;
	s8 =	simm.s32 @!p0 $0x1BF5;
	p2 =	por !p2, p0  }
0x20: {  	[sflag:s8] =	ssyncset.s32 @!p0 $0xFFFFF086;
	s6 =	sadd.s32 @!p0 s3, s7;
	s7 =	simm.s32 @!p0 $0x108  }
0x21: {  	s3 =	sadd.s32 s3, s9;
	s6 =	sadd.s32 @!p0 $0x88, s6;
	s7 =	simm.s32 @p2 $0x1082  }
0x22: {  	[simem:s7], [sflag:s8] =	dma.local @!p0 [hbm:s6], $0xF7A  }
0x23: {  	s9 =	sor.u32 $0xD0000000, s2;
	s6 =	simm.s32 $0x108;
	_ =	swait.ge @!p0 [sflag:s8], $0x0  }
0x24: {  	s3 =	sadd.s32 $0x88, s3;
	s6 =	simm.s32 @!p1 $0x1082;
	[sflag:s4] =	ssyncset.s32 $0xFFFFF086  }
0x25: {  	[simem:s6], [sflag:s4] =	dma.local [hbm:s3], $0xF7A  }
0x26: {  	[smem:$0x3F89] =	sst s1;
	(tag) =	ssettag s2;
	_ =	strace s9  }
0x27: {  	s1 =	sld [smem:$0x3F99]  }
0x28: {  	s2 =	sld [smem:$0x3F9A]  }
0x29: {  	s4 =	sld [smem:$0x3F9C]  }
0x2a: {  	p0 =	seq.s32 s5, $0x0;
	s5 =	sld [smem:$0x3F9D]  }
0x2b: {  	s6 =	sld [smem:$0x3F9E]  }
0x2c: {  	s7 =	sld [smem:$0x3F9F]  }
0x2d: {  	s3 =	simm.s32 $0x108;
	s8 =	sld [smem:$0x3FA0]  }
0x2e: {  	s3 =	simm.s32 @!p0 $0x1082;
	s9 =	sld [smem:$0x3FA1]  }
0x2f: {  	lr =	sadd.s32 s0, s3;
	s0 =	sld [smem:$0x3F98]  }
0x30: {  	s3 =	sld [smem:$0x3F9B]  }
0x31: {  	[smem:$0x3FA4] =	sst s10  }
0x32: {  	s10 =	sld [smem:$0x3FA2];
	_ =	sdelay $0x3  }
0x33: {  	p0 =	seq.s32 s10, $0x1;
	s10 =	sld [smem:$0x3FA4];
	_ =	sdelay $0x3  }
0x34: {  	[smem:$0x3FA4] =	sst s10  }
0x35: {  	s10 =	sld [smem:$0x3FA3];
	_ =	sdelay $0x3  }
0x36: {  	p1 =	seq.s32 s10, $0x1;
	s10 =	sld [smem:$0x3FA4];
	_ =	sdelay $0x3  }
0x37: {  	[smem:$0x3FA4] =	sst s10  }
0x38: {  	s10 =	sld [smem:$0x3FA5]  }
0x39: {  	_ = 	snop;
	(pc) =	sbr.ind lr, $3  }
0x3a: {  	_ = 	snop  }
0x3b: {  	_ = 	snop  }
0x3c: {  	p2 =	seq.s32 s10, $0x1;
	s10 =	sld [smem:$0x3FA4]  }
0x3d: {  	_ =	shalt  }
0x3e: {  	_ =	shalt  }
0x3f: {  	_ =	shalt  }
0x40: {  	_ =	shalt  }
0x41: {  	_ =	shalt  }
0x42: {  	_ =	shalt  }
0x43: {  	_ =	shalt  }
0x44: {  	_ =	shalt  }
0x45: {  	_ =	shalt  }
0x46: {  	_ =	shalt  }
0x47: {  	_ =	shalt  }
0x48: {  	_ =	shalt  }
0x49: {  	_ =	shalt  }
0x4a: {  	_ =	shalt  }
0x4b: {  	_ =	shalt  }
0x4c: {  	_ =	shalt  }
0x4d: {  	_ =	shalt  }
0x4e: {  	_ =	shalt  }
0x4f: {  	_ =	shalt  }
0x50: {  	_ =	shalt  }
0x51: {  	_ =	shalt  }
0x52: {  	_ =	shalt  }
0x53: {  	_ =	shalt  }
0x54: {  	_ =	shalt  }
0x55: {  	_ =	shalt  }
0x56: {  	_ =	shalt  }
0x57: {  	_ =	shalt  }
0x58: {  	_ =	shalt  }
0x59: {  	_ =	shalt  }
0x5a: {  	_ =	shalt  }
0x5b: {  	_ =	shalt  }
0x5c: {  	_ =	shalt  }
0x5d: {  	_ =	shalt  }
0x5e: {  	_ =	shalt  }
0x5f: {  	_ =	shalt  }
0x60: {  	_ =	shalt  }
0x61: {  	_ =	shalt  }
0x62: {  	_ =	shalt  }
0x63: {  	_ =	shalt  }
0x64: {  	_ =	shalt  }
0x65: {  	_ =	shalt  }
0x66: {  	_ =	shalt  }
0x67: {  	_ =	shalt  }
0x68: {  	_ =	shalt  }
0x69: {  	_ =	shalt  }
0x6a: {  	_ =	shalt  }
0x6b: {  	_ =	shalt  }
0x6c: {  	_ =	shalt  }
0x6d: {  	_ =	shalt  }
0x6e: {  	_ =	shalt  }
0x6f: {  	_ =	shalt  }
0x70: {  	_ =	shalt  }
0x71: {  	_ =	shalt  }
0x72: {  	_ =	shalt  }
0x73: {  	_ =	shalt  }
0x74: {  	_ =	shalt  }
0x75: {  	_ =	shalt  }
0x76: {  	_ =	shalt  }
0x77: {  	_ =	shalt  }
0x78: {  	_ =	shalt  }
0x79: {  	_ =	shalt  }
0x7a: {  	_ =	shalt  }
0x7b: {  	_ =	shalt  }
0x7c: {  	_ =	shalt  }
0x7d: {  	_ =	shalt  }
0x7e: {  	_ =	shalt  }
0x7f: {  	_ =	shalt  }
0x80: {  	_ =	shalt  }
0x81: {  	_ =	shalt  }
0x82: {  	_ =	shalt  }
0x83: {  	_ =	shalt  }
0x84: {  	_ =	shalt  }
0x85: {  	_ =	shalt  }
0x86: {  	_ =	shalt  }
0x87: {  	_ =	shalt  }
.Lfunc_end0:
.L_simem_size_0:
called_computation.1_lowered:
.L_overlay_start_0:
0x88: {  	s2 =	sld [smem:$0x3FD9]  }
0x89: {  	s3 =	sld [smem:$0x3FFE];
	_ =	sdelay $0x1  }
0x8a: {  	s1 =	srdreg.scid  }
0x8b: {  	s0 =	sand.u32 $0x1, s1  }
0x8c: {  	s17 =	sshll.u32 s0, $0xA;
	s2 =	sadd.s32 s3, s2  }
0x8d: {  	s2 =	sadd.s32 s2, s17  }
0x8e: {  	[smem:$0x3FB0] =	sst s2  }
0x8f: {  	_ = 	snop  }
0x90: {  	s2 =	sld [smem:$0x3FD0];
	(tm) =	ssettm $0x1  }
0x91: {  	s18 =	sld [smem:$0x3FFB];
	_ =	sdelay $0x3  }
0x92: {  	_ =	strace s18  }
0x93: {  	s3 =	sld [smem:$0x3FFC];
	_ =	sdelay $0x3  }
0x94: {  	_ =	strace s3  }
0x95: {  	s3 =	sld [smem:$0x3FFD];
	_ =	sdelay $0x3  }
0x96: {  	_ =	strace s3  }
0x97: {  	_ =	strace $0x8FFFFFFF  }
0x98: {  	s19 =	sld [smem:$0x3FDB];
	_ =	sdelay $0x1  }
0x99: {  	s4 =	simm.s32 $_scs_section_size  }
0x9a: {  	s5 =	simm.s32 $_size__tile_overlayer_lowered;
	s6 =	simm.s32 $_tile_overlayer_lowered  }
0x9b: {  	s22 =	simm.s32 $0x1BFF;
	s21 =	sshll.u32 s6, $0x1;
	s3 =	sadd.s32 s4, s19  }
0x9c: {  	s7 =	simm.s32 $0x0;
	s20 =	sshll.u32 s5, $0x1;
	s5 =	sadd.s32 s21, s3  }
0x9d: {  	[timem:s7], [sflag:s22] =	dma.local [hbm:s5], s20  }
0x9e: {  	_ =	swait.ge [sflag:s22], s20  }
0x9f: {  	s4 =	ssub.s32 $0x0, s20;
	[sflag:s22] =	ssyncset.done $0x0  }
0xa0: {  	[sflag:s22] =	ssyncadd.s32 s4;
	_ =	sdelay $0x1  }
0xa1: {  	s23 =	simm.s32 $0x1B8B  }
0xa2: {  	_ =	swait.ge [sflag:s23], $0x1  }
0xa3: {  	[sflag:s23] =	ssyncset.done $0x0  }
0xa4: {  	s25 =	simm.s32 $0x1B8E;
	s24 =	sld [smem:$0x3FFE];
	[sflag:s23] =	ssyncadd.s32 $0xFFFFFFFF  }
0xa5: {  	s26 =	simm.s32 $execute0_lowered;
	[smem:$0x3FD2] =	sst s25  }
0xa6: {  	s5 =	sshll.u32 s26, $0x1;
	_ =	strace $0x80000049;
	[dreg:$0x1] =	wrdreg $0xFFFFFFFF  }
0xa7: {  	s28 =	simm.s32 $_size_execute0_lowered;
	s3 =	sadd.s32 s3, s5;
	[dreg:$0x0] =	wrdreg $0x0  }
0xa8: {  	s5 =	sshll.u32 s28, $0x1;
	[dreg:$0x2] =	wrdreg s3  }
0xa9: {  	[dreg:$0x3] =	wrdreg s5  }
0xaa: {  	[dreg:$0x4] =	wrdreg $0xC0  }
0xab: {  	_ =	task [dreg:s7], $0x5FFFF  }
0xac: {  	[dreg:$0x1] =	wrdreg $0xFFFFFFFF  }
0xad: {  	[dreg:$0x0] =	wrdreg $0x60  }
0xae: {  	[dreg:$0x2] =	wrdreg s24  }
0xaf: {  	[dreg:$0x3] =	wrdreg s2  }
0xb0: {  	[dreg:$0x4] =	wrdreg $0x5F800  }
0xb1: {  	[dreg:$0x5] =	wrdreg $0x9  }
0xb2: {  	_ =	task.clear_ibuf [dreg:s7], $0x6FFFF;
	_ =	strace $0x90000049  }
0xb3: {  	s29 =	simm.s32 $0x9;
	_ =	strace $0x8000004B  }
0xb4: {  	_ =	swait.ge [sflag:s29], $0x1  }
0xb5: {  	[sflag:s29] =	ssyncadd.s32 $0xFFFFFFFF  }
0xb6: {  	_ =	strace $0x9000004B  }
0xb7: {  	_ =	sfence  }
0xb8: {  	s30 =	sld [smem:$0x0];
	_ =	sdelay $0x2  }
0xb9: {  	s31 =	sshll.u32 s1, $0xD;
	s1 =	sshrl.u32 s1, $0x2  }
0xba: {  	s3 =	sand.u32 $0x4000, s31;
	s1 =	sadd.s32 s1, s30  }
0xbb: {  	s0 =	sor.u32 s3, s0;
	s1 =	sshll.u32 s1, $0x11  }
0xbc: {  	s0 =	sor.u32 s1, s0  }
0xbd: {  	s0 =	sadd.s32 $0x8F2B, s0  }
0xbe: {  	[sflag:s0] =	ssyncadd.remote.s32 $0x1  }
0xbf: {  	_ =	sfence.sel $0xFFFF  }
0xc0: {  	[dreg:$0x0] =	wrdreg $0xFFFFFFFF;
	(pc) =	sbr.abs _section_cstart, $3  }
0xc1: {  	[dreg:$0x1] =	wrdreg $0xFFFFFFFF  }
0xc2: {  	_ =	task.clear_ibuf [dreg:s7], $0x2FFFF;
	_ =	strace $0x9FFFFFFF  }
0xc3: {  	(tm) =	ssettm $0x7FFFFFFF  }
tec
execute0_lowered:
.L_overlay_start_1:
0x0: {  	(tag) =	ssettag $0x1  }
0x1: {  	s5 =	rddreg [dreg:$0x0]  }
0x2: {  	s9 =	rddreg [dreg:$0x1]  }
0x3: {  	s1 =	rddreg [dreg:$0x2]  }
0x4: {  	s2 =	srdreg.scid;
	s0 =	rddreg [dreg:$0x3];
	s3 =	simm.s32 $0x0  }
0x5: {  	s13 =	simm.s32 $0x1400;
	s14 =	simm.s32 $0x80;
	s15 =	simm.s32 $0x2800  }
0x6: {  	s16 =	simm.s32 $0x3000;
	s17 =	simm.s32 $0x1;
	s18 =	simm.s32 $0x2  }
0x7: {  	s19 =	simm.s32 $0x1380;
	s20 =	simm.s32 $0x2700;
	s21 =	simm.s32 $0x2780  }
0x8: {  	s22 =	simm.s32 $0x0;
	s6 =	sand.u32 $0x1, s2;
	s2 =	stileid.u32  }
0x9: {  	[smem:$0x7FF] =	sst s3;
	s4 =	sshll.u32 s6, $0x4;
	s8 =	smul.u32 $0x2780, s2  }
0xa: {  	_ =	strace $0x8000004A;
	s11 =	ssub.s32 $0x2, s6;
	s6 =	smul.u32 $0x27800, s6  }
0xb: {  	s7 =	sor.u32 s2, s4;
	s4 =	sadd.s32 $0x3A600, s5;
	s29 =	sshrl.u32 s11, $0x1  }
0xc: {  	s7 =	smul.u32 $0x280, s7;
	s10 =	sshrl.u32 s8, $0x3;
	s31 =	sadd.s32 s8, s6  }
0xd: {  	s30 =	ssub.s32 s11, s29;
	s6 =	sadd.s32 s8, s1;
	s11 =	sshrl.u32 s31, $0x3  }
0xe: {  	s12 =	sadd.s32 s7, s5;
	s5 =	sadd.s32 s10, s5;
	s9 =	sadd.s32 s9, s11  }
0xf: {  	s10 =	smax.u32 s30, $0x1;
	s11 =	simm.s32 $0x3800;
	s5 =	sadd.s32 $0x9200, s5  }
0x10: {  	s7 =	sadd.s32 $0xE400, s12;
	s8 =	sadd.s32 $0x4200, s12;
	s12 =	simm.s32 $0x3  }
.LBB2_1:
0x11: {  	[tilespmem:s11], [sflag:$0x3] =	stream.linear.gather [hbm4b:s5+s3], $0x2780, $0x38;
	[tilespmem:$0x8700] =	vst v63  }
0x12: {  	_ =	swait.ge [sflag:s12], $0x2780  }
0x13: {  	[sflag:s12] =	ssyncset.done $0x0  }
0x14: {  	[sflag:s12] =	ssyncadd.s32 $0xFFFFD880  }
0x15: {  	[spmem:s6] =	stream.linear.scatter [tilespmem:s11], [sflag:$0x3], $0x2780, $0x38;
	[tilespmem:$0x8700] =	vst v63  }
0x16: {  	_ =	swait.ge [sflag:s12], $0x2780  }
0x17: {  	[sflag:s12] =	ssyncset.done $0x0  }
0x18: {  	[sflag:s12] =	ssyncadd.s32 $0xFFFFD880  }
0x19: {  	[tilespmem:s3], [sflag:$0x3] =	stream.linear.gather [hbm4b:s7+s3], $0x1400, $0x38;
	[tilespmem:$0x8700] =	vst v63  }
0x1a: {  	_ =	swait.ge [sflag:s12], $0x1400  }
0x1b: {  	[sflag:s12] =	ssyncset.done $0x0  }
0x1c: {  	[sflag:s12] =	ssyncadd.s32 $0xFFFFEC00  }
0x1d: {  	[tilespmem:s13], [sflag:$0x3] =	stream.linear.gather [hbm4b:s8+s3], $0x1400, $0x38;
	[tilespmem:$0x8700] =	vst v63  }
0x1e: {  	_ =	swait.ge [sflag:s12], $0x1400  }
0x1f: {  	[sflag:s12] =	ssyncset.done $0x0  }
0x20: {  	[sflag:s12] =	ssyncadd.s32 $0xFFFFEC00  }
0x21: {  	[bflag:$0x0] =	sbarrier.arrive $0xFFFF  }
0x22: {  	[tilespmem:s15], [sflag:$0x1] =	stream.indirect.gather [hbm4b:s4+s14], $0x10, s3, s14, $0xb8;
	[tilespmem:$0x8700] =	vst v63  }
0x23: {  	s23 =	simm.s32 $0x80  }
0x24: {  	[tilespmem:s16], [sflag:$0x2] =	stream.indirect.gather [hbm4b:s4+s14], $0x10, s23, s14, $0xb8;
	[tilespmem:$0x8700] =	vst v63  }
0x25: {  	_ =	swait.ge [sflag:s17], $0x800  }
0x26: {  	[sflag:s17] =	ssyncset.done $0x0  }
0x27: {  	s29 =	simm.s32 $0x1400;
	[sflag:s17] =	ssyncadd.s32 $0xFFFFF800  }
0x28: {  	[spmem:s1] =	stream.indirect.scatter.add.f32 [tilespmem:s15], [sflag:$0x3], $0x10, s29, s14, $0xb8;
	[tilespmem:$0x8700] =	vst v63  }
0x29: {  	_ =	swait.ge [sflag:s12], $0x800  }
0x2a: {  	[sflag:s12] =	ssyncset.done $0x0  }
0x2b: {  	s30 =	simm.s32 $0x100;
	[sflag:s12] =	ssyncadd.s32 $0xFFFFF800  }
0x2c: {  	[tilespmem:s15], [sflag:$0x1] =	stream.indirect.gather [hbm4b:s4+s14], $0x10, s30, s14, $0xb8;
	[tilespmem:$0x8700] =	vst v63  }
0x2d: {  	_ =	swait.ge [sflag:s18], $0x800  }
0x2e: {  	[sflag:s18] =	ssyncset.done $0x0  }
0x2f: {  	s31 =	simm.s32 $0x1480;
	[sflag:s18] =	ssyncadd.s32 $0xFFFFF800  }
0x30: {  	[spmem:s1] =	stream.indirect.scatter.add.f32 [tilespmem:s16], [sflag:$0x3], $0x10, s31, s14, $0xb8;
	[tilespmem:$0x8700] =	vst v63  }
0x31: {  	_ =	swait.ge [sflag:s12], $0x800  }
0x32: {  	s24 =	simm.s32 $0x800;
	s23 =	simm.s32 $0x100;
	[sflag:s12] =	ssyncset.done $0x0  }
.LBB2_2:
0x33: {  	s25 =	sadd.s32 $0x80, s23  }
0x34: {  	[sflag:s12] =	ssyncadd.s32 $0xFFFFF800;
	s26 =	smov.u32 s24;
	s28 =	sadd.s32 $0x400, s24  }
0x35: {  	[tilespmem:s16], [sflag:$0x2] =	stream.indirect.gather [hbm4b:s4+s14], $0x10, s25, s14, $0xb8;
	[tilespmem:$0x8700] =	vst v63  }
0x36: {  	p0 =	sne.s32 s24, $0x4800;
	_ =	swait.ge [sflag:s17], $0x800  }
0x37: {  	[sflag:s17] =	ssyncset.done $0x0  }
0x38: {  	s24 =	sadd.s32 $0x1400, s23;
	[sflag:s17] =	ssyncadd.s32 $0xFFFFF800  }
0x39: {  	[spmem:s1] =	stream.indirect.scatter.add.f32 [tilespmem:s15], [sflag:$0x3], $0x10, s24, s14, $0xb8;
	[tilespmem:$0x8700] =	vst v63  }
0x3a: {  	_ =	swait.ge [sflag:s12], $0x800  }
0x3b: {  	[sflag:s12] =	ssyncset.done $0x0  }
0x3c: {  	s24 =	sadd.s32 $0x100, s23;
	[sflag:s12] =	ssyncadd.s32 $0xFFFFF800  }
0x3d: {  	[tilespmem:s15], [sflag:$0x1] =	stream.indirect.gather [hbm4b:s4+s14], $0x10, s24, s14, $0xb8;
	[tilespmem:$0x8700] =	vst v63  }
0x3e: {  	_ =	swait.ge [sflag:s18], $0x800  }
.Ltmp0:
0x3f: {  	[sflag:s18] =	ssyncset.done $0x0;
	(pc) =	sbr.rel @p0 .LBB2_2-.Ltmp0, $4  }
0x40: {  	s23 =	sadd.s32 $0x1480, s23;
	[sflag:s18] =	ssyncadd.s32 $0xFFFFF800  }
0x41: {  	[spmem:s1] =	stream.indirect.scatter.add.f32 [tilespmem:s16], [sflag:$0x3], $0x10, s23, s14, $0xb8;
	[tilespmem:$0x8700] =	vst v63  }
0x42: {  	_ =	swait.ge [sflag:s12], $0x800  }
0x43: {  	s24 =	smov.u32 s28;
	s23 =	sshra.s32 s26, $0x2;
	[sflag:s12] =	ssyncset.done $0x0  }
0x44: {  	s24 =	sadd.s32 $0x80, s23;
	[sflag:s12] =	ssyncadd.s32 $0xFFFFF800  }
0x45: {  	[tilespmem:s16], [sflag:$0x2] =	stream.indirect.gather [hbm4b:s4+s14], $0x10, s24, s14, $0xb8;
	[tilespmem:$0x8700] =	vst v63  }
0x46: {  	_ =	swait.ge [sflag:s17], $0x800  }
0x47: {  	[sflag:s17] =	ssyncset.done $0x0  }
0x48: {  	s29 =	sadd.s32 $0x1400, s23;
	[sflag:s17] =	ssyncadd.s32 $0xFFFFF800  }
0x49: {  	[spmem:s1] =	stream.indirect.scatter.add.f32 [tilespmem:s15], [sflag:$0x3], $0x10, s29, s14, $0xb8;
	[tilespmem:$0x8700] =	vst v63  }
0x4a: {  	_ =	swait.ge [sflag:s12], $0x800  }
0x4b: {  	[sflag:s12] =	ssyncset.done $0x0  }
0x4c: {  	s30 =	sadd.s32 $0x100, s23;
	[sflag:s12] =	ssyncadd.s32 $0xFFFFF800  }
0x4d: {  	[tilespmem:s15], [sflag:$0x1] =	stream.indirect.gather [hbm4b:s4+s14], $0x10, s30, s14, $0xb8;
	[tilespmem:$0x8700] =	vst v63  }
0x4e: {  	_ =	swait.ge [sflag:s18], $0x800  }
0x4f: {  	[sflag:s18] =	ssyncset.done $0x0  }
0x50: {  	s31 =	sadd.s32 $0x1480, s23;
	[sflag:s18] =	ssyncadd.s32 $0xFFFFF800  }
0x51: {  	[spmem:s1] =	stream.indirect.scatter.add.f32 [tilespmem:s16], [sflag:$0x3], $0x10, s31, s14, $0xb8;
	[tilespmem:$0x8700] =	vst v63  }
0x52: {  	_ =	swait.ge [sflag:s12], $0x800  }
0x53: {  	[sflag:s12] =	ssyncset.done $0x0  }
0x54: {  	[sflag:s12] =	ssyncadd.s32 $0xFFFFF800  }
0x55: {  	[tilespmem:s16], [sflag:$0x2] =	stream.indirect.gather [hbm4b:s4+s14], $0x10, s19, s14, $0xb8;
	[tilespmem:$0x8700] =	vst v63  }
0x56: {  	_ =	swait.ge [sflag:s17], $0x800  }
0x57: {  	[sflag:s17] =	ssyncset.done $0x0  }
0x58: {  	[sflag:s17] =	ssyncadd.s32 $0xFFFFF800  }
0x59: {  	[spmem:s1] =	stream.indirect.scatter.add.f32 [tilespmem:s15], [sflag:$0x3], $0x10, s20, s14, $0xb8;
	[tilespmem:$0x8700] =	vst v63  }
0x5a: {  	_ =	swait.ge [sflag:s12], $0x800  }
0x5b: {  	[sflag:s12] =	ssyncset.done $0x0  }
0x5c: {  	[sflag:s12] =	ssyncadd.s32 $0xFFFFF800  }
0x5d: {  	[tilespmem:s15], [sflag:$0x1] =	stream.indirect.gather [hbm4b:s4+s14], $0x10, s19, s14, $0xb8;
	[tilespmem:$0x8700] =	vst v63  }
0x5e: {  	_ =	swait.ge [sflag:s18], $0x800  }
0x5f: {  	[sflag:s18] =	ssyncset.done $0x0  }
0x60: {  	[sflag:s18] =	ssyncadd.s32 $0xFFFFF800  }
0x61: {  	[spmem:s1] =	stream.indirect.scatter.add.f32 [tilespmem:s16], [sflag:$0x3], $0x10, s21, s14, $0xb8;
	[tilespmem:$0x8700] =	vst v63  }
0x62: {  	_ =	swait.ge [sflag:s12], $0x800  }
0x63: {  	[sflag:s12] =	ssyncset.done $0x0  }
0x64: {  	[sflag:s12] =	ssyncadd.s32 $0xFFFFF800  }
0x65: {  	_ =	swait.ge [sflag:s17], $0x800  }
0x66: {  	[sflag:s17] =	ssyncset.done $0x0  }
0x67: {  	[sflag:s17] =	ssyncadd.s32 $0xFFFFF800  }
0x68: {  	[bflag:$0x0] =	sbarrier.arrive $0xFFFF  }
0x69: {  	[tilespmem:s11], [sflag:$0x3] =	stream.linear.gather [spmem:s6], $0x2780, $0x38;
	[tilespmem:$0x8700] =	vst v63  }
0x6a: {  	s22 =	sadd.s32 $0x1, s22;
	_ =	swait.ge [sflag:s12], $0x2780  }
0x6b: {  	p0 =	sne.s32 s22, s10;
	[sflag:s12] =	ssyncset.done $0x0  }
.Ltmp1:
0x6c: {  	[sflag:s12] =	ssyncadd.s32 $0xFFFFD880;
	(pc) =	sbr.rel @p0 .LBB2_1-.Ltmp1, $4  }
0x6d: {  	[hbm4b:s9+s3] =	stream.linear.scatter [tilespmem:s11], [sflag:$0x3], $0x2780, $0x38;
	[tilespmem:$0x8700] =	vst v63  }
0x6e: {  	_ =	swait.ge [sflag:s12], $0x2780  }
0x6f: {  	[sflag:s12] =	ssyncset.done $0x0  }
0x70: {  	[sflag:s12] =	ssyncadd.s32 $0xFFFFD880  }
0x71: {  	_ =	sfence.sel $0x180000  }
0x72: {  	[bflag:$0x0] =	sbarrier.arrive $0xFFFF  }
0x73: {  	p0 =	sne.s32 s2, $0x0;
	_ =	strace $0x9000004A  }
0x74: {  	s0 =	sadd.s32 @!p0 $0x100000, s0;
	[bflag:$0x2] =	sbarrier.arrive $0xFFFF  }
0x75: {  	[sflag:s0] =	ssyncadd.tile.s32 @!p0 $0x1;
	_ =	shalt  }
.Lfunc_end2:
_tile_overlayer_lowered:
.L_overlay_start_2:
0x76: {  	(tag) =	ssettag $0x2  }
0x77: {  	s0 =	rddreg [dreg:$0x0];
	s2 =	stileid.u32  }
0x78: {  	s1 =	rddreg [dreg:$0x1];
	p0 =	sne.s32 s2, $0x0  }
0x79: {  	s3 =	rddreg [dreg:$0x2];
	[bflag:$0x3] =	sbarrier.arrive $0xFFFF;
	s2 =	simm.s32 @!p0 $0x1C03  }
0x7a: {  	[timem:s3], [sflag:s2] =	dma.local @!p0 [hbm:s0], s1  }
0x7b: {  	s0 =	simm.s32 @!p0 $0x3  }
0x7c: {  	_ =	swait.ge @!p0 [sflag:s0], s1  }
0x7d: {  	s1 =	ssub.s32 @!p0 $0x0, s1;
	[sflag:s0] =	ssyncset.done @!p0 $0x0  }
0x7e: {  	[sflag:s0] =	ssyncadd.s32 @!p0 s1  }
0x7f: {  	[bflag:$0x3] =	sbarrier.arrive $0xFFFF  }
0x80: {  	_ =	shalt  }

// kernel: kernel.19.cloned.1.call-start
scs
__scs_entry_jumppad:
0x0: {  	(pc) =	sbr.rel $0x88, $3  }
0x1: {  	(tag) =	ssettag $0x0;
	lr =	simm.s32 $0x1  }
0x2: {  	[smem:$0x3F89] =	sst lr;
	_ =	strace $0xD0000000  }
0x3: {  	_ = 	snop  }
0x4: {  	_ = 	snop  }
0x5: {  	_ = 	snop  }
0x6: {  	_ = 	snop  }
0x7: {  	_ = 	snop  }
__scs_overlays_trampoline_lowered:
0x8: {  	[smem:$0x3F98] =	sst s0  }
0x9: {  	[smem:$0x3F99] =	sst s1  }
0xa: {  	[smem:$0x3F9A] =	sst s2  }
0xb: {  	[smem:$0x3F9B] =	sst s3  }
0xc: {  	[smem:$0x3F9C] =	sst s4  }
0xd: {  	[smem:$0x3F9D] =	sst s5  }
0xe: {  	[smem:$0x3F9E] =	sst s6  }
0xf: {  	[smem:$0x3F9F] =	sst s7  }
0x10: {  	[smem:$0x3FA0] =	sst s8  }
0x11: {  	[smem:$0x3FA1] =	sst s9;
	s0 =	simm.s32 @!p0 $0x0  }
0x12: {  	s1 =	sld [smem:$0x3F87];
	s0 =	simm.s32 @p0 $0x1  }
0x13: {  	[smem:$0x3FA2] =	sst s0;
	s0 =	simm.s32 @!p1 $0x0  }
0x14: {  	s2 =	sld [smem:$0x3F86];
	s0 =	simm.s32 @p1 $0x1  }
0x15: {  	[smem:$0x3FA3] =	sst s0;
	s0 =	simm.s32 @!p2 $0x0  }
0x16: {  	s3 =	sld [smem:$0x3FDB];
	s0 =	simm.s32 @p2 $0x1  }
0x17: {  	s4 =	simm.s32 $0x1BF5;
	[smem:$0x3FA5] =	sst s0  }
0x18: {  	s0 =	sld [smem:$0x3F88];
	_ =	swait.ge [sflag:s4], $0x0  }
0x19: {  	s7 =	sld [smem:$0x3F89]  }
0x1a: {  	s8 =	sadd.s32 $0xFFFFE003, lr  }
0x1b: {  	s9 =	sadd.s32 $0xFFFFFEF7, lr;
	s5 =	simm.s32 $0xFFFFFFFF;
	p2 =	slt.u32 s8, $0xFFFFF086  }
0x1c: {  	p1 =	slt.u32 s9, $0xF7A;
	s5 =	simm.s32 @!p2 $0x0  }
0x1d: {  	s5 =	simm.s32 @p1 $0x1;
	p0 =	seq.s32 s7, s2  }
0x1e: {  	s7 =	smul.u32 @!p0 $0xF7A, s2;
	p2 =	seq.s32 @!p0 s5, $0x0  }
0x1f: {  	s9 =	smul.u32 $0xF7A, s1;
	s8 =	simm.s32 @!p0 $0x1BF5;
	p2 =	por !p2, p0  }
0x20: {  	[sflag:s8] =	ssyncset.s32 @!p0 $0xFFFFF086;
	s6 =	sadd.s32 @!p0 s3, s7;
	s7 =	simm.s32 @!p0 $0x108  }
0x21: {  	s3 =	sadd.s32 s3, s9;
	s6 =	sadd.s32 @!p0 $0x88, s6;
	s7 =	simm.s32 @p2 $0x1082  }
0x22: {  	[simem:s7], [sflag:s8] =	dma.local @!p0 [hbm:s6], $0xF7A  }
0x23: {  	s9 =	sor.u32 $0xD0000000, s2;
	s6 =	simm.s32 $0x108;
	_ =	swait.ge @!p0 [sflag:s8], $0x0  }
0x24: {  	s3 =	sadd.s32 $0x88, s3;
	s6 =	simm.s32 @!p1 $0x1082;
	[sflag:s4] =	ssyncset.s32 $0xFFFFF086  }
0x25: {  	[simem:s6], [sflag:s4] =	dma.local [hbm:s3], $0xF7A  }
0x26: {  	[smem:$0x3F89] =	sst s1;
	(tag) =	ssettag s2;
	_ =	strace s9  }
0x27: {  	s1 =	sld [smem:$0x3F99]  }
0x28: {  	s2 =	sld [smem:$0x3F9A]  }
0x29: {  	s4 =	sld [smem:$0x3F9C]  }
0x2a: {  	p0 =	seq.s32 s5, $0x0;
	s5 =	sld [smem:$0x3F9D]  }
0x2b: {  	s6 =	sld [smem:$0x3F9E]  }
0x2c: {  	s7 =	sld [smem:$0x3F9F]  }
0x2d: {  	s3 =	simm.s32 $0x108;
	s8 =	sld [smem:$0x3FA0]  }
0x2e: {  	s3 =	simm.s32 @!p0 $0x1082;
	s9 =	sld [smem:$0x3FA1]  }
0x2f: {  	lr =	sadd.s32 s0, s3;
	s0 =	sld [smem:$0x3F98]  }
0x30: {  	s3 =	sld [smem:$0x3F9B]  }
0x31: {  	[smem:$0x3FA4] =	sst s10  }
0x32: {  	s10 =	sld [smem:$0x3FA2];
	_ =	sdelay $0x3  }
0x33: {  	p0 =	seq.s32 s10, $0x1;
	s10 =	sld [smem:$0x3FA4];
	_ =	sdelay $0x3  }
0x34: {  	[smem:$0x3FA4] =	sst s10  }
0x35: {  	s10 =	sld [smem:$0x3FA3];
	_ =	sdelay $0x3  }
0x36: {  	p1 =	seq.s32 s10, $0x1;
	s10 =	sld [smem:$0x3FA4];
	_ =	sdelay $0x3  }
0x37: {  	[smem:$0x3FA4] =	sst s10  }
0x38: {  	s10 =	sld [smem:$0x3FA5]  }
0x39: {  	_ = 	snop;
	(pc) =	sbr.ind lr, $3  }
0x3a: {  	_ = 	snop  }
0x3b: {  	_ = 	snop  }
0x3c: {  	p2 =	seq.s32 s10, $0x1;
	s10 =	sld [smem:$0x3FA4]  }
0x3d: {  	_ =	shalt  }
0x3e: {  	_ =	shalt  }
0x3f: {  	_ =	shalt  }
0x40: {  	_ =	shalt  }
0x41: {  	_ =	shalt  }
0x42: {  	_ =	shalt  }
0x43: {  	_ =	shalt  }
0x44: {  	_ =	shalt  }
0x45: {  	_ =	shalt  }
0x46: {  	_ =	shalt  }
0x47: {  	_ =	shalt  }
0x48: {  	_ =	shalt  }
0x49: {  	_ =	shalt  }
0x4a: {  	_ =	shalt  }
0x4b: {  	_ =	shalt  }
0x4c: {  	_ =	shalt  }
0x4d: {  	_ =	shalt  }
0x4e: {  	_ =	shalt  }
0x4f: {  	_ =	shalt  }
0x50: {  	_ =	shalt  }
0x51: {  	_ =	shalt  }
0x52: {  	_ =	shalt  }
0x53: {  	_ =	shalt  }
0x54: {  	_ =	shalt  }
0x55: {  	_ =	shalt  }
0x56: {  	_ =	shalt  }
0x57: {  	_ =	shalt  }
0x58: {  	_ =	shalt  }
0x59: {  	_ =	shalt  }
0x5a: {  	_ =	shalt  }
0x5b: {  	_ =	shalt  }
0x5c: {  	_ =	shalt  }
0x5d: {  	_ =	shalt  }
0x5e: {  	_ =	shalt  }
0x5f: {  	_ =	shalt  }
0x60: {  	_ =	shalt  }
0x61: {  	_ =	shalt  }
0x62: {  	_ =	shalt  }
0x63: {  	_ =	shalt  }
0x64: {  	_ =	shalt  }
0x65: {  	_ =	shalt  }
0x66: {  	_ =	shalt  }
0x67: {  	_ =	shalt  }
0x68: {  	_ =	shalt  }
0x69: {  	_ =	shalt  }
0x6a: {  	_ =	shalt  }
0x6b: {  	_ =	shalt  }
0x6c: {  	_ =	shalt  }
0x6d: {  	_ =	shalt  }
0x6e: {  	_ =	shalt  }
0x6f: {  	_ =	shalt  }
0x70: {  	_ =	shalt  }
0x71: {  	_ =	shalt  }
0x72: {  	_ =	shalt  }
0x73: {  	_ =	shalt  }
0x74: {  	_ =	shalt  }
0x75: {  	_ =	shalt  }
0x76: {  	_ =	shalt  }
0x77: {  	_ =	shalt  }
0x78: {  	_ =	shalt  }
0x79: {  	_ =	shalt  }
0x7a: {  	_ =	shalt  }
0x7b: {  	_ =	shalt  }
0x7c: {  	_ =	shalt  }
0x7d: {  	_ =	shalt  }
0x7e: {  	_ =	shalt  }
0x7f: {  	_ =	shalt  }
0x80: {  	_ =	shalt  }
0x81: {  	_ =	shalt  }
0x82: {  	_ =	shalt  }
0x83: {  	_ =	shalt  }
0x84: {  	_ =	shalt  }
0x85: {  	_ =	shalt  }
0x86: {  	_ =	shalt  }
0x87: {  	_ =	shalt  }
.Lfunc_end0:
.L_simem_size_0:
called_computation.2_lowered:
.L_overlay_start_0:
0x88: {  	s2 =	sld [smem:$0x3FD9]  }
0x89: {  	s3 =	sld [smem:$0x3FFE];
	_ =	sdelay $0x1  }
0x8a: {  	s1 =	srdreg.scid  }
0x8b: {  	s0 =	sand.u32 $0x1, s1  }
0x8c: {  	s17 =	sshll.u32 s0, $0xA;
	s2 =	sadd.s32 s3, s2  }
0x8d: {  	s2 =	sadd.s32 s2, s17  }
0x8e: {  	[smem:$0x3FB0] =	sst s2  }
0x8f: {  	_ = 	snop  }
0x90: {  	s2 =	sld [smem:$0x3FD0];
	(tm) =	ssettm $0x1  }
0x91: {  	s18 =	sld [smem:$0x3FFB];
	_ =	sdelay $0x3  }
0x92: {  	_ =	strace s18  }
0x93: {  	s3 =	sld [smem:$0x3FFC];
	_ =	sdelay $0x3  }
0x94: {  	_ =	strace s3  }
0x95: {  	s3 =	sld [smem:$0x3FFD];
	_ =	sdelay $0x3  }
0x96: {  	_ =	strace s3  }
0x97: {  	_ =	strace $0x8FFFFFFF  }
0x98: {  	s19 =	sld [smem:$0x3FDB];
	_ =	sdelay $0x1  }
0x99: {  	s4 =	simm.s32 $_scs_section_size  }
0x9a: {  	s5 =	simm.s32 $_size__tile_overlayer_lowered;
	s6 =	simm.s32 $_tile_overlayer_lowered  }
0x9b: {  	s22 =	simm.s32 $0x1BFF;
	s21 =	sshll.u32 s6, $0x1;
	s3 =	sadd.s32 s4, s19  }
0x9c: {  	s7 =	simm.s32 $0x0;
	s20 =	sshll.u32 s5, $0x1;
	s5 =	sadd.s32 s21, s3  }
0x9d: {  	[timem:s7], [sflag:s22] =	dma.local [hbm:s5], s20  }
0x9e: {  	_ =	swait.ge [sflag:s22], s20  }
0x9f: {  	s4 =	ssub.s32 $0x0, s20;
	[sflag:s22] =	ssyncset.done $0x0  }
0xa0: {  	[sflag:s22] =	ssyncadd.s32 s4;
	_ =	sdelay $0x1  }
0xa1: {  	s23 =	simm.s32 $0x1B8B  }
0xa2: {  	_ =	swait.ge [sflag:s23], $0x1  }
0xa3: {  	[sflag:s23] =	ssyncset.done $0x0  }
0xa4: {  	s25 =	simm.s32 $0x1B8E;
	s24 =	sld [smem:$0x3FFE];
	[sflag:s23] =	ssyncadd.s32 $0xFFFFFFFF  }
0xa5: {  	s26 =	simm.s32 $execute0_lowered;
	[smem:$0x3FD2] =	sst s25  }
0xa6: {  	s5 =	sshll.u32 s26, $0x1;
	_ =	strace $0x8000004C;
	[dreg:$0x1] =	wrdreg $0xFFFFFFFF  }
0xa7: {  	s28 =	simm.s32 $_size_execute0_lowered;
	s3 =	sadd.s32 s3, s5;
	[dreg:$0x0] =	wrdreg $0x0  }
0xa8: {  	s5 =	sshll.u32 s28, $0x1;
	[dreg:$0x2] =	wrdreg s3  }
0xa9: {  	[dreg:$0x3] =	wrdreg s5  }
0xaa: {  	[dreg:$0x4] =	wrdreg $0xC0  }
0xab: {  	_ =	task [dreg:s7], $0x5FFFF  }
0xac: {  	[dreg:$0x1] =	wrdreg $0xFFFFFFFF  }
0xad: {  	[dreg:$0x0] =	wrdreg $0x60  }
0xae: {  	[dreg:$0x2] =	wrdreg s24  }
0xaf: {  	[dreg:$0x3] =	wrdreg s2  }
0xb0: {  	[dreg:$0x4] =	wrdreg $0x97000  }
0xb1: {  	[dreg:$0x5] =	wrdreg $0x9  }
0xb2: {  	_ =	task.clear_ibuf [dreg:s7], $0x6FFFF;
	_ =	strace $0x9000004C  }
0xb3: {  	s29 =	simm.s32 $0x9;
	_ =	strace $0x8000004E  }
0xb4: {  	_ =	swait.ge [sflag:s29], $0x1  }
0xb5: {  	[sflag:s29] =	ssyncadd.s32 $0xFFFFFFFF  }
0xb6: {  	_ =	strace $0x9000004E  }
0xb7: {  	_ =	sfence  }
0xb8: {  	s30 =	sld [smem:$0x0];
	_ =	sdelay $0x2  }
0xb9: {  	s31 =	sshll.u32 s1, $0xD;
	s1 =	sshrl.u32 s1, $0x2  }
0xba: {  	s3 =	sand.u32 $0x4000, s31;
	s1 =	sadd.s32 s1, s30  }
0xbb: {  	s0 =	sor.u32 s3, s0;
	s1 =	sshll.u32 s1, $0x11  }
0xbc: {  	s0 =	sor.u32 s1, s0  }
0xbd: {  	s0 =	sadd.s32 $0x8F2B, s0  }
0xbe: {  	[sflag:s0] =	ssyncadd.remote.s32 $0x1  }
0xbf: {  	_ =	sfence.sel $0xFFFF  }
0xc0: {  	[dreg:$0x0] =	wrdreg $0xFFFFFFFF;
	(pc) =	sbr.abs _section_cstart, $3  }
0xc1: {  	[dreg:$0x1] =	wrdreg $0xFFFFFFFF  }
0xc2: {  	_ =	task.clear_ibuf [dreg:s7], $0x2FFFF;
	_ =	strace $0x9FFFFFFF  }
0xc3: {  	(tm) =	ssettm $0x7FFFFFFF  }
tec
execute0_lowered:
.L_overlay_start_1:
0x0: {  	(tag) =	ssettag $0x1  }
0x1: {  	s5 =	rddreg [dreg:$0x0]  }
0x2: {  	s6 =	rddreg [dreg:$0x1]  }
0x3: {  	s2 =	rddreg [dreg:$0x2];
	s3 =	srdreg.scid  }
0x4: {  	s0 =	rddreg [dreg:$0x3];
	s1 =	stileid.u32  }
0x5: {  	s12 =	simm.s32 $0x3;
	s13 =	simm.s32 $0x1400;
	s14 =	simm.s32 $0x80  }
0x6: {  	s15 =	simm.s32 $0x2800;
	s16 =	simm.s32 $0x3800;
	s17 =	simm.s32 $0x1  }
0x7: {  	s18 =	simm.s32 $0x2;
	s19 =	simm.s32 $0x1380;
	s20 =	simm.s32 $0x2700  }
0x8: {  	s21 =	simm.s32 $0x2780;
	s22 =	simm.s32 $0x0;
	s7 =	sand.u32 $0x1, s3  }
0x9: {  	s3 =	simm.s32 $0x0;
	s8 =	smul.u32 $0x4F00, s1;
	s4 =	sshll.u32 s7, $0x4  }
0xa: {  	[smem:$0x7FF] =	sst s3;
	s9 =	smul.u32 $0x4F000, s7;
	s7 =	ssub.s32 $0x2, s7  }
0xb: {  	s4 =	sor.u32 s1, s4;
	_ =	strace $0x8000004D;
	s11 =	sshrl.u32 s7, $0x1  }
0xc: {  	s31 =	sshrl.u32 s8, $0x3;
	s10 =	smul.u32 $0x280, s4;
	s9 =	sadd.s32 s8, s9  }
0xd: {  	s4 =	sadd.s32 $0x3A600, s5;
	s11 =	ssub.s32 s7, s11;
	s9 =	sshrl.u32 s9, $0x3  }
0xe: {  	s10 =	sadd.s32 s10, s5;
	s9 =	sadd.s32 s9, s5;
	s5 =	sadd.s32 s6, s31  }
0xf: {  	s6 =	sadd.s32 s8, s2;
	s7 =	sadd.s32 $0xE400, s10;
	s8 =	sadd.s32 $0x4200, s10  }
0x10: {  	s9 =	sadd.s32 $0x44400, s9;
	s10 =	smax.u32 s11, $0x1;
	s11 =	simm.s32 $0x4800  }
.LBB2_1:
0x11: {  	[tilespmem:s11], [sflag:$0x3] =	stream.linear.gather [hbm4b:s5+s3], $0x4F00, $0x38;
	[tilespmem:$0xE600] =	vst v63  }
0x12: {  	_ =	swait.ge [sflag:s12], $0x4F00  }
0x13: {  	[sflag:s12] =	ssyncset.done $0x0  }
0x14: {  	[sflag:s12] =	ssyncadd.s32 $0xFFFFB100  }
0x15: {  	[spmem:s6] =	stream.linear.scatter [tilespmem:s11], [sflag:$0x3], $0x4F00, $0x38;
	[tilespmem:$0xE600] =	vst v63  }
0x16: {  	_ =	swait.ge [sflag:s12], $0x4F00  }
0x17: {  	[sflag:s12] =	ssyncset.done $0x0  }
0x18: {  	[sflag:s12] =	ssyncadd.s32 $0xFFFFB100  }
0x19: {  	[tilespmem:s3], [sflag:$0x3] =	stream.linear.gather [hbm4b:s7+s3], $0x1400, $0x38;
	[tilespmem:$0xE600] =	vst v63  }
0x1a: {  	_ =	swait.ge [sflag:s12], $0x1400  }
0x1b: {  	[sflag:s12] =	ssyncset.done $0x0  }
0x1c: {  	[sflag:s12] =	ssyncadd.s32 $0xFFFFEC00  }
0x1d: {  	[tilespmem:s13], [sflag:$0x3] =	stream.linear.gather [hbm4b:s8+s3], $0x1400, $0x38;
	[tilespmem:$0xE600] =	vst v63  }
0x1e: {  	_ =	swait.ge [sflag:s12], $0x1400  }
0x1f: {  	[sflag:s12] =	ssyncset.done $0x0  }
0x20: {  	[sflag:s12] =	ssyncadd.s32 $0xFFFFEC00  }
0x21: {  	[bflag:$0x0] =	sbarrier.arrive $0xFFFF  }
0x22: {  	[tilespmem:s15], [sflag:$0x1] =	stream.indirect.gather [hbm4b:s4+s14], $0x20, s3, s14, $0xb8;
	[tilespmem:$0xE600] =	vst v63  }
0x23: {  	s23 =	simm.s32 $0x80  }
0x24: {  	[tilespmem:s16], [sflag:$0x2] =	stream.indirect.gather [hbm4b:s4+s14], $0x20, s23, s14, $0xb8;
	[tilespmem:$0xE600] =	vst v63  }
0x25: {  	_ =	swait.ge [sflag:s17], $0x1000  }
0x26: {  	[sflag:s17] =	ssyncset.done $0x0  }
0x27: {  	s29 =	simm.s32 $0x1400;
	[sflag:s17] =	ssyncadd.s32 $0xFFFFF000  }
0x28: {  	[spmem:s2] =	stream.indirect.scatter.add.f32 [tilespmem:s15], [sflag:$0x3], $0x20, s29, s14, $0xb8;
	[tilespmem:$0xE600] =	vst v63  }
0x29: {  	_ =	swait.ge [sflag:s12], $0x1000  }
0x2a: {  	[sflag:s12] =	ssyncset.done $0x0  }
0x2b: {  	s30 =	simm.s32 $0x100;
	[sflag:s12] =	ssyncadd.s32 $0xFFFFF000  }
0x2c: {  	[tilespmem:s15], [sflag:$0x1] =	stream.indirect.gather [hbm4b:s4+s14], $0x20, s30, s14, $0xb8;
	[tilespmem:$0xE600] =	vst v63  }
0x2d: {  	_ =	swait.ge [sflag:s18], $0x1000  }
0x2e: {  	[sflag:s18] =	ssyncset.done $0x0  }
0x2f: {  	s31 =	simm.s32 $0x1480;
	[sflag:s18] =	ssyncadd.s32 $0xFFFFF000  }
0x30: {  	[spmem:s2] =	stream.indirect.scatter.add.f32 [tilespmem:s16], [sflag:$0x3], $0x20, s31, s14, $0xb8;
	[tilespmem:$0xE600] =	vst v63  }
0x31: {  	_ =	swait.ge [sflag:s12], $0x1000  }
0x32: {  	s24 =	simm.s32 $0x800;
	s23 =	simm.s32 $0x100;
	[sflag:s12] =	ssyncset.done $0x0  }
.LBB2_2:
0x33: {  	s25 =	sadd.s32 $0x80, s23  }
0x34: {  	[sflag:s12] =	ssyncadd.s32 $0xFFFFF000;
	s26 =	smov.u32 s24;
	s28 =	sadd.s32 $0x400, s24  }
0x35: {  	[tilespmem:s16], [sflag:$0x2] =	stream.indirect.gather [hbm4b:s4+s14], $0x20, s25, s14, $0xb8;
	[tilespmem:$0xE600] =	vst v63  }
0x36: {  	p0 =	sne.s32 s24, $0x4800;
	_ =	swait.ge [sflag:s17], $0x1000  }
0x37: {  	[sflag:s17] =	ssyncset.done $0x0  }
0x38: {  	s24 =	sadd.s32 $0x1400, s23;
	[sflag:s17] =	ssyncadd.s32 $0xFFFFF000  }
0x39: {  	[spmem:s2] =	stream.indirect.scatter.add.f32 [tilespmem:s15], [sflag:$0x3], $0x20, s24, s14, $0xb8;
	[tilespmem:$0xE600] =	vst v63  }
0x3a: {  	_ =	swait.ge [sflag:s12], $0x1000  }
0x3b: {  	[sflag:s12] =	ssyncset.done $0x0  }
0x3c: {  	s24 =	sadd.s32 $0x100, s23;
	[sflag:s12] =	ssyncadd.s32 $0xFFFFF000  }
0x3d: {  	[tilespmem:s15], [sflag:$0x1] =	stream.indirect.gather [hbm4b:s4+s14], $0x20, s24, s14, $0xb8;
	[tilespmem:$0xE600] =	vst v63  }
0x3e: {  	_ =	swait.ge [sflag:s18], $0x1000  }
.Ltmp0:
0x3f: {  	[sflag:s18] =	ssyncset.done $0x0;
	(pc) =	sbr.rel @p0 .LBB2_2-.Ltmp0, $4  }
0x40: {  	s23 =	sadd.s32 $0x1480, s23;
	[sflag:s18] =	ssyncadd.s32 $0xFFFFF000  }
0x41: {  	[spmem:s2] =	stream.indirect.scatter.add.f32 [tilespmem:s16], [sflag:$0x3], $0x20, s23, s14, $0xb8;
	[tilespmem:$0xE600] =	vst v63  }
0x42: {  	_ =	swait.ge [sflag:s12], $0x1000  }
0x43: {  	s24 =	smov.u32 s28;
	s23 =	sshra.s32 s26, $0x2;
	[sflag:s12] =	ssyncset.done $0x0  }
0x44: {  	s24 =	sadd.s32 $0x80, s23;
	[sflag:s12] =	ssyncadd.s32 $0xFFFFF000  }
0x45: {  	[tilespmem:s16], [sflag:$0x2] =	stream.indirect.gather [hbm4b:s4+s14], $0x20, s24, s14, $0xb8;
	[tilespmem:$0xE600] =	vst v63  }
0x46: {  	_ =	swait.ge [sflag:s17], $0x1000  }
0x47: {  	[sflag:s17] =	ssyncset.done $0x0  }
0x48: {  	s29 =	sadd.s32 $0x1400, s23;
	[sflag:s17] =	ssyncadd.s32 $0xFFFFF000  }
0x49: {  	[spmem:s2] =	stream.indirect.scatter.add.f32 [tilespmem:s15], [sflag:$0x3], $0x20, s29, s14, $0xb8;
	[tilespmem:$0xE600] =	vst v63  }
0x4a: {  	_ =	swait.ge [sflag:s12], $0x1000  }
0x4b: {  	[sflag:s12] =	ssyncset.done $0x0  }
0x4c: {  	s30 =	sadd.s32 $0x100, s23;
	[sflag:s12] =	ssyncadd.s32 $0xFFFFF000  }
0x4d: {  	[tilespmem:s15], [sflag:$0x1] =	stream.indirect.gather [hbm4b:s4+s14], $0x20, s30, s14, $0xb8;
	[tilespmem:$0xE600] =	vst v63  }
0x4e: {  	_ =	swait.ge [sflag:s18], $0x1000  }
0x4f: {  	[sflag:s18] =	ssyncset.done $0x0  }
0x50: {  	s31 =	sadd.s32 $0x1480, s23;
	[sflag:s18] =	ssyncadd.s32 $0xFFFFF000  }
0x51: {  	[spmem:s2] =	stream.indirect.scatter.add.f32 [tilespmem:s16], [sflag:$0x3], $0x20, s31, s14, $0xb8;
	[tilespmem:$0xE600] =	vst v63  }
0x52: {  	_ =	swait.ge [sflag:s12], $0x1000  }
0x53: {  	[sflag:s12] =	ssyncset.done $0x0  }
0x54: {  	[sflag:s12] =	ssyncadd.s32 $0xFFFFF000  }
0x55: {  	[tilespmem:s16], [sflag:$0x2] =	stream.indirect.gather [hbm4b:s4+s14], $0x20, s19, s14, $0xb8;
	[tilespmem:$0xE600] =	vst v63  }
0x56: {  	_ =	swait.ge [sflag:s17], $0x1000  }
0x57: {  	[sflag:s17] =	ssyncset.done $0x0  }
0x58: {  	[sflag:s17] =	ssyncadd.s32 $0xFFFFF000  }
0x59: {  	[spmem:s2] =	stream.indirect.scatter.add.f32 [tilespmem:s15], [sflag:$0x3], $0x20, s20, s14, $0xb8;
	[tilespmem:$0xE600] =	vst v63  }
0x5a: {  	_ =	swait.ge [sflag:s12], $0x1000  }
0x5b: {  	[sflag:s12] =	ssyncset.done $0x0  }
0x5c: {  	[sflag:s12] =	ssyncadd.s32 $0xFFFFF000  }
0x5d: {  	[tilespmem:s15], [sflag:$0x1] =	stream.indirect.gather [hbm4b:s4+s14], $0x20, s19, s14, $0xb8;
	[tilespmem:$0xE600] =	vst v63  }
0x5e: {  	_ =	swait.ge [sflag:s18], $0x1000  }
0x5f: {  	[sflag:s18] =	ssyncset.done $0x0  }
0x60: {  	[sflag:s18] =	ssyncadd.s32 $0xFFFFF000  }
0x61: {  	[spmem:s2] =	stream.indirect.scatter.add.f32 [tilespmem:s16], [sflag:$0x3], $0x20, s21, s14, $0xb8;
	[tilespmem:$0xE600] =	vst v63  }
0x62: {  	_ =	swait.ge [sflag:s12], $0x1000  }
0x63: {  	[sflag:s12] =	ssyncset.done $0x0  }
0x64: {  	[sflag:s12] =	ssyncadd.s32 $0xFFFFF000  }
0x65: {  	_ =	swait.ge [sflag:s17], $0x1000  }
0x66: {  	[sflag:s17] =	ssyncset.done $0x0  }
0x67: {  	[sflag:s17] =	ssyncadd.s32 $0xFFFFF000  }
0x68: {  	[bflag:$0x0] =	sbarrier.arrive $0xFFFF  }
0x69: {  	[tilespmem:s11], [sflag:$0x3] =	stream.linear.gather [spmem:s6], $0x4F00, $0x38;
	[tilespmem:$0xE600] =	vst v63  }
0x6a: {  	s22 =	sadd.s32 $0x1, s22;
	_ =	swait.ge [sflag:s12], $0x4F00  }
0x6b: {  	p0 =	sne.s32 s22, s10;
	[sflag:s12] =	ssyncset.done $0x0  }
.Ltmp1:
0x6c: {  	[sflag:s12] =	ssyncadd.s32 $0xFFFFB100;
	(pc) =	sbr.rel @p0 .LBB2_1-.Ltmp1, $4  }
0x6d: {  	[hbm4b:s9+s3] =	stream.linear.scatter [tilespmem:s11], [sflag:$0x3], $0x4F00, $0x38;
	[tilespmem:$0xE600] =	vst v63  }
0x6e: {  	_ =	swait.ge [sflag:s12], $0x4F00  }
0x6f: {  	[sflag:s12] =	ssyncset.done $0x0  }
0x70: {  	[sflag:s12] =	ssyncadd.s32 $0xFFFFB100  }
0x71: {  	_ =	sfence.sel $0x180000  }
0x72: {  	[bflag:$0x0] =	sbarrier.arrive $0xFFFF  }
0x73: {  	p0 =	sne.s32 s1, $0x0;
	_ =	strace $0x9000004D  }
0x74: {  	s0 =	sadd.s32 @!p0 $0x100000, s0;
	[bflag:$0x2] =	sbarrier.arrive $0xFFFF  }
0x75: {  	[sflag:s0] =	ssyncadd.tile.s32 @!p0 $0x1;
	_ =	shalt  }
.Lfunc_end2:
_tile_overlayer_lowered:
.L_overlay_start_2:
0x76: {  	(tag) =	ssettag $0x2  }
0x77: {  	s0 =	rddreg [dreg:$0x0];
	s2 =	stileid.u32  }
0x78: {  	s1 =	rddreg [dreg:$0x1];
	p0 =	sne.s32 s2, $0x0  }
0x79: {  	s3 =	rddreg [dreg:$0x2];
	[bflag:$0x3] =	sbarrier.arrive $0xFFFF;
	s2 =	simm.s32 @!p0 $0x1C03  }
0x7a: {  	[timem:s3], [sflag:s2] =	dma.local @!p0 [hbm:s0], s1  }
0x7b: {  	s0 =	simm.s32 @!p0 $0x3  }
0x7c: {  	_ =	swait.ge @!p0 [sflag:s0], s1  }
0x7d: {  	s1 =	ssub.s32 @!p0 $0x0, s1;
	[sflag:s0] =	ssyncset.done @!p0 $0x0  }
0x7e: {  	[sflag:s0] =	ssyncadd.s32 @!p0 s1  }
0x7f: {  	[bflag:$0x3] =	sbarrier.arrive $0xFFFF  }
0x80: {  	_ =	shalt  }

</sc_bundles>
